<compile_context>
chip_gen: v7x
topology: tpu7x:2x2x1
jax: 0.10.2.dev20260603
libtpu: 0.0.44.dev20260713+nightly
codegen_flags: <defaults>
</compile_context>

<pallas_src>
import functools

import jax
import jax.numpy as jnp
from jax import lax
from jax.experimental import pallas as pl
from jax.experimental.pallas import tpu as pltpu
from jax.experimental.pallas import tpu_sc as plsc

L = 16


def _make_gather(b: int, s: int, d: int, dp: int):
  info = plsc.get_sparse_core_info()
  nc, ns = info.num_cores, info.num_subcores
  nw = nc * ns
  tok = 128
  assert b % (tok * nw) == 0 and b // tok == nw
  assert s % 2 == 0 and d % L == 0
  dh = d // 8
  tokp = tok + 1
  n_groups = s // 2
  mesh = plsc.VectorSubcoreMesh(core_axis_name="c", subcore_axis_name="s")

  @functools.partial(
      pl.kernel,
      mesh=mesh,
      compiler_params=pltpu.CompilerParams(
          use_tc_tiling_on_sc=False, needs_layout_passes=False),
      out_type=jax.ShapeDtypeStruct((s, dh, nw, 8, tok), jnp.float32),
      scratch_types=[
          pltpu.VMEM((s, tok), jnp.int32),
          pltpu.VMEM((tok, dp), jnp.float32),
          pltpu.VMEM((tok, dp), jnp.float32),
          pltpu.VMEM((dh, 8, tokp), jnp.float32),
          pltpu.VMEM((dh, 8, tokp), jnp.float32),
          pltpu.SemaphoreType.DMA,
          pltpu.SemaphoreType.DMA,
          pltpu.SemaphoreType.DMA,
          pltpu.SemaphoreType.DMA,
      ],
  )
  def gather_k(lut_hbm, xt_hbm, out_hbm, idx_all, r0, r1, w0, w1,
               gsem0, gsem1, wsem0, wsem1):
    wid = lax.axis_index("s") * nc + lax.axis_index("c")
    pltpu.sync_copy(xt_hbm.at[:, pl.ds(wid * tok, tok)], idx_all)

    lane = lax.iota(jnp.int32, L)
    scat = []
    for k in range(d // L):
      c = lane + (k * L)
      scat.append((lax.shift_right_logical(c, 3), lax.bitwise_and(c, 7)))

    def gather_cp(g, rows, gsem):
      return pltpu.make_async_copy(lut_hbm.at[idx_all.at[g]], rows, gsem)

    zv = lane * 0

    def transpose_scale(rows, w):
      def tok_body(j, carry):
        jv = zv + j
        vals = [rows[j, pl.ds(k * L, L)] * 8.0 for k in range(d // L)]
        for k in range(d // L):
          plsc.store_scatter(w, [scat[k][0], scat[k][1], jv], vals[k])
        return carry
      lax.fori_loop(0, tok, tok_body, 0, unroll=2)

    def wb_start(g, w, wsem):
      pltpu.async_copy(
          w.at[:, :, pl.ds(0, tok)], out_hbm.at[g, :, wid], wsem).start()

    def wb_wait(g, wsem):
      pltpu.make_async_copy(
          w0.at[:, :, pl.ds(0, tok)], out_hbm.at[g, :, wid], wsem).wait()

    gather_cp(0, r0, gsem0).start()

    def group(t, carry):
      g0 = 2 * t
      g1 = g0 + 1
      @pl.when(t > 0)
      def _():
        wb_wait(g0 - 1, wsem1)
      gather_cp(g1, r1, gsem1).start()
      gather_cp(g0, r0, gsem0).wait()
      transpose_scale(r0, w0)
      wb_start(g0, w0, wsem0)
      gather_cp(g1, r1, gsem1).wait()
      @pl.when(t < n_groups - 1)
      def _():
        wb_wait(g0, wsem0)
        gather_cp(g0 + 2, r0, gsem0).start()
      transpose_scale(r1, w1)
      wb_start(g1, w1, wsem1)
      return carry

    lax.fori_loop(0, n_groups, group, 0)
    wb_wait(2 * n_groups - 2, wsem0)
    wb_wait(2 * n_groups - 1, wsem1)

  return gather_k


def kernel(x, lut):
  b, s = x.shape
  _, d = lut.shape
  gather_k = _make_gather(b, s, d, d)
  t5 = gather_k(lut, x.T)
  return t5.transpose((2, 4, 0, 1, 3)).reshape(b, s, d)

# --- scband reference (transcript-rebuilt; emitter-appended) ---
"""Pipeline reference for scband-embeddings-12206297055665 (READ-ONLY COPY).

The authoritative reference and input builder live on the scoring server;
editing this copy changes nothing except your own understanding.
"""

import jax, jax.numpy as jnp
import numpy as np
import math

D_MODEL = 64
VOCAB = 1000000

def setup_inputs(seed: int = 0) -> dict:
    key = jax.random.key(seed)
    k1, k2 = jax.random.split(key)
    x = jax.random.randint(k1, (4096, 200), 0, VOCAB, dtype=jnp.int64 if jax.config.jax_enable_x64 else jnp.int32).astype(jnp.int32)
    lut = jax.random.normal(k2, (VOCAB, D_MODEL), dtype=jnp.float32)
    return {"x": x, "lut": lut}

def reference(x, lut):
    # Embedding lookup scaled by sqrt(d_model)
    emb = jnp.take(lut, x, axis=0)
    return emb * math.sqrt(D_MODEL)

if __name__ == "__main__":
    import jax
    _d = setup_inputs()
    print(jax.jit(kernel)(*tuple(_d.values())))

</pallas_src>

<mosaic_0001>
#map = affine_map<(d0, d1) -> (0, 0)>
#map1 = affine_map<(d0, d1) -> (0, 0, 0, 0, 0)>
module attributes {stable_mosaic.version = 14 : i64} {
  func.func @gather_k(%arg0: i32, %arg1: i32, %arg2: memref<1000000x64xf32, #tpu.memory_space<hbm>>, %arg3: memref<200x4096xi32, #tpu.memory_space<hbm>>, %arg4: memref<200x8x32x8x128xf32, #tpu.memory_space<hbm>>, %arg5: memref<200x128xi32, #tpu.memory_space<vmem>>, %arg6: memref<128x64xf32, #tpu.memory_space<vmem>>, %arg7: memref<128x64xf32, #tpu.memory_space<vmem>>, %arg8: memref<8x8x129xf32, #tpu.memory_space<vmem>>, %arg9: memref<8x8x129xf32, #tpu.memory_space<vmem>>, %arg10: memref<!tpu.dma_semaphore, #tpu.memory_space<semaphore_mem>>, %arg11: memref<!tpu.dma_semaphore, #tpu.memory_space<semaphore_mem>>, %arg12: memref<!tpu.dma_semaphore, #tpu.memory_space<semaphore_mem>>, %arg13: memref<!tpu.dma_semaphore, #tpu.memory_space<semaphore_mem>>) attributes {dimension_semantics = [#tpu.dimension_semantics<core_parallel>, #tpu.dimension_semantics<subcore_parallel>], iteration_bounds = array<i64: 2, 16>, scalar_prefetch = 0 : i64, scratch_operands = 9 : i64, tpu.core_type = #tpu.core_type<sc_vector_subcore>, window_params = [{transform_indices = #map}, {transform_indices = #map}, {transform_indices = #map1}]} {
    %mul3A = arith.constant 2 : i32
    %mul3A_0 = arith.muli %arg1, %mul3A : i32
    %add3A = arith.addi %mul3A_0, %arg0 : i32
    %mul3A_1 = arith.constant 128 : i32
    %mul3A_2 = arith.muli %add3A, %mul3A_1 : i32
    "tpu.region"() ({
      %run_scoped3A = tpu.sem_alloc : memref<!tpu.dma_semaphore, #tpu.memory_space<semaphore_mem>>
      %dma_start3A_88 = arith.constant 0 : i32
      %dma_start3A_89 = tpu.memref_slice %arg3[%dma_start3A_88, %mul3A_2] : memref<200x4096xi32, #tpu.memory_space<hbm>> -> memref<200x128xi32, #tpu.memory_space<hbm>>
      %dma_start3A_90 = arith.constant 0 : i32
      %dma_start3A_91 = tpu.memref_slice %arg3[%dma_start3A_90, %mul3A_2] : memref<200x4096xi32, #tpu.memory_space<hbm>> -> memref<200x128xi32, #tpu.memory_space<hbm>>
      tpu.enqueue_dma source(%dma_start3A_91 : memref<200x128xi32, #tpu.memory_space<hbm>>) target(%arg5 : memref<200x128xi32, #tpu.memory_space<vmem>>) target_semaphore(%run_scoped3A : memref<!tpu.dma_semaphore, #tpu.memory_space<semaphore_mem>>)
      %dma_wait3A_92 = arith.constant 0 : i32
      %dma_wait3A_93 = tpu.memref_slice %arg3[%dma_wait3A_92, %mul3A_2] : memref<200x4096xi32, #tpu.memory_space<hbm>> -> memref<200x128xi32, #tpu.memory_space<hbm>>
      %dma_wait3A_94 = arith.constant 0 : i32
      %dma_wait3A_95 = tpu.memref_slice %arg3[%dma_wait3A_94, %mul3A_2] : memref<200x4096xi32, #tpu.memory_space<hbm>> -> memref<200x128xi32, #tpu.memory_space<hbm>>
      tpu.wait_dma2 semaphore(%run_scoped3A : memref<!tpu.dma_semaphore, #tpu.memory_space<semaphore_mem>>) src(%dma_wait3A_95 : memref<200x128xi32, #tpu.memory_space<hbm>>) dst(%arg5 : memref<200x128xi32, #tpu.memory_space<vmem>>)
      tpu.yield
    }) : () -> ()
    %iota3A = tpu.iota {dimensions = array<i32: 0>} : vector<16xi32>
    %add3A_3 = arith.constant 0 : i32
    %add3A_4 = vector.broadcast %add3A_3 : i32 to vector<16xi32>
    %add3A_5 = arith.addi %iota3A, %add3A_4 : vector<16xi32>
    %shift_right_logical3A = arith.constant 3 : i32
    %shift_right_logical3A_6 = vector.broadcast %shift_right_logical3A : i32 to vector<16xi32>
    %shift_right_logical3A_7 = arith.shrui %add3A_5, %shift_right_logical3A_6 : vector<16xi32>
    %and3A = arith.constant 7 : i32
    %and3A_8 = vector.broadcast %and3A : i32 to vector<16xi32>
    %and3A_9 = arith.andi %add3A_5, %and3A_8 : vector<16xi32>
    %add3A_10 = arith.constant 16 : i32
    %add3A_11 = vector.broadcast %add3A_10 : i32 to vector<16xi32>
    %add3A_12 = arith.addi %iota3A, %add3A_11 : vector<16xi32>
    %shift_right_logical3A_13 = arith.constant 3 : i32
    %shift_right_logical3A_14 = vector.broadcast %shift_right_logical3A_13 : i32 to vector<16xi32>
    %shift_right_logical3A_15 = arith.shrui %add3A_12, %shift_right_logical3A_14 : vector<16xi32>
    %and3A_16 = arith.constant 7 : i32
    %and3A_17 = vector.broadcast %and3A_16 : i32 to vector<16xi32>
    %and3A_18 = arith.andi %add3A_12, %and3A_17 : vector<16xi32>
    %add3A_19 = arith.constant 32 : i32
    %add3A_20 = vector.broadcast %add3A_19 : i32 to vector<16xi32>
    %add3A_21 = arith.addi %iota3A, %add3A_20 : vector<16xi32>
    %shift_right_logical3A_22 = arith.constant 3 : i32
    %shift_right_logical3A_23 = vector.broadcast %shift_right_logical3A_22 : i32 to vector<16xi32>
    %shift_right_logical3A_24 = arith.shrui %add3A_21, %shift_right_logical3A_23 : vector<16xi32>
    %and3A_25 = arith.constant 7 : i32
    %and3A_26 = vector.broadcast %and3A_25 : i32 to vector<16xi32>
    %and3A_27 = arith.andi %add3A_21, %and3A_26 : vector<16xi32>
    %add3A_28 = arith.constant 48 : i32
    %add3A_29 = vector.broadcast %add3A_28 : i32 to vector<16xi32>
    %add3A_30 = arith.addi %iota3A, %add3A_29 : vector<16xi32>
    %shift_right_logical3A_31 = arith.constant 3 : i32
    %shift_right_logical3A_32 = vector.broadcast %shift_right_logical3A_31 : i32 to vector<16xi32>
    %shift_right_logical3A_33 = arith.shrui %add3A_30, %shift_right_logical3A_32 : vector<16xi32>
    %and3A_34 = arith.constant 7 : i32
    %and3A_35 = vector.broadcast %and3A_34 : i32 to vector<16xi32>
    %and3A_36 = arith.andi %add3A_30, %and3A_35 : vector<16xi32>
    %mul3A_37 = arith.constant 0 : i32
    %mul3A_38 = vector.broadcast %mul3A_37 : i32 to vector<16xi32>
    %mul3A_39 = arith.muli %iota3A, %mul3A_38 : vector<16xi32>
    %dma_start3A = arith.constant 0 : i32
    %dma_start3A_40 = arith.constant 0 : i32
    %dma_start3A_41 = tpu.memref_slice %arg5[%dma_start3A, %dma_start3A_40] : memref<200x128xi32, #tpu.memory_space<vmem>> -> memref<1x128xi32, #tpu.memory_space<vmem>>
    %dma_start3A_42 = tpu.memref_squeeze %dma_start3A_41 : memref<1x128xi32, #tpu.memory_space<vmem>> -> memref<128xi32, #tpu.memory_space<vmem>>
    %dma_start3A_43 = arith.constant 0 : i32
    %dma_start3A_44 = arith.constant 0 : i32
    %dma_start3A_45 = tpu.memref_slice %arg2[%dma_start3A_43, %dma_start3A_44] : memref<1000000x64xf32, #tpu.memory_space<hbm>> -> memref<1000000x64xf32, #tpu.memory_space<hbm>>
    tpu.enqueue_indirect_dma source(%dma_start3A_45 : memref<1000000x64xf32, #tpu.memory_space<hbm>>) target(%arg6 : memref<128x64xf32, #tpu.memory_space<vmem>>) offsets(%dma_start3A_42 : memref<128xi32, #tpu.memory_space<vmem>>) semaphore(%arg10 : memref<!tpu.dma_semaphore, #tpu.memory_space<semaphore_mem>>)
    %scan3A = arith.constant 0 : i32
    %scan3A_46 = arith.constant 0 : i32
    %scan3A_47 = arith.constant 100 : i32
    %scan3A_48 = arith.addi %scan3A_46, %scan3A_47 : i32
    %scan3A_49 = arith.constant 1 : i32
    scf.for %scan3A_88 = %scan3A_46 to %scan3A_48 step %scan3A_49  : i32 {
      %mul3A_89 = arith.constant 2 : i32
      %mul3A_90 = arith.muli %mul3A_89, %scan3A_88 : i32
      %add3A_91 = arith.constant 1 : i32
      %add3A_92 = arith.addi %mul3A_90, %add3A_91 : i32
      %gt3A = arith.constant 0 : i32
      %gt3A_93 = arith.cmpi sgt, %scan3A_88, %gt3A : i32
      %convert_element_type3A = arith.extui %gt3A_93 : i1 to i32
      %cond3A = arith.constant 0 : i32
      %cond3A_94 = arith.cmpi ne, %convert_element_type3A, %cond3A : i32
      scf.if %cond3A_94 {
        %sub3A = arith.constant 1 : i32
        %sub3A_201 = arith.subi %mul3A_90, %sub3A : i32
        %dma_wait3A_202 = arith.constant 0 : i32
        %dma_wait3A_203 = arith.constant 0 : i32
        %dma_wait3A_204 = arith.constant 0 : i32
        %dma_wait3A_205 = tpu.memref_slice %arg8[%dma_wait3A_202, %dma_wait3A_203, %dma_wait3A_204] : memref<8x8x129xf32, #tpu.memory_space<vmem>> -> memref<8x8x128xf32, #tpu.memory_space<vmem>>
        %dma_wait3A_206 = arith.constant 0 : i32
        %dma_wait3A_207 = arith.constant 0 : i32
        %dma_wait3A_208 = arith.constant 0 : i32
        %dma_wait3A_209 = tpu.memref_slice %arg4[%sub3A_201, %dma_wait3A_206, %add3A, %dma_wait3A_207, %dma_wait3A_208] : memref<200x8x32x8x128xf32, #tpu.memory_space<hbm>> -> memref<1x8x1x8x128xf32, #tpu.memory_space<hbm>>
        %dma_wait3A_210 = tpu.memref_squeeze %dma_wait3A_209 : memref<1x8x1x8x128xf32, #tpu.memory_space<hbm>> -> memref<8x8x128xf32, #tpu.memory_space<hbm>>
        %dma_wait3A_211 = arith.constant 0 : i32
        %dma_wait3A_212 = arith.constant 0 : i32
        %dma_wait3A_213 = arith.constant 0 : i32
        %dma_wait3A_214 = tpu.memref_slice %arg4[%sub3A_201, %dma_wait3A_211, %add3A, %dma_wait3A_212, %dma_wait3A_213] : memref<200x8x32x8x128xf32, #tpu.memory_space<hbm>> -> memref<1x8x1x8x128xf32, #tpu.memory_space<hbm>>
        %dma_wait3A_215 = tpu.memref_squeeze %dma_wait3A_214 : memref<1x8x1x8x128xf32, #tpu.memory_space<hbm>> -> memref<8x8x128xf32, #tpu.memory_space<hbm>>
        %dma_wait3A_216 = arith.constant 0 : i32
        %dma_wait3A_217 = arith.constant 0 : i32
        %dma_wait3A_218 = arith.constant 0 : i32
        %dma_wait3A_219 = tpu.memref_slice %arg8[%dma_wait3A_216, %dma_wait3A_217, %dma_wait3A_218] : memref<8x8x129xf32, #tpu.memory_space<vmem>> -> memref<8x8x128xf32, #tpu.memory_space<vmem>>
        tpu.wait_dma2 semaphore(%arg13 : memref<!tpu.dma_semaphore, #tpu.memory_space<semaphore_mem>>) src(%dma_wait3A_219 : memref<8x8x128xf32, #tpu.memory_space<vmem>>) dst(%dma_wait3A_215 : memref<8x8x128xf32, #tpu.memory_space<hbm>>)
      } else {
      }
      %dma_start3A_95 = arith.constant 0 : i32
      %dma_start3A_96 = tpu.memref_slice %arg5[%add3A_92, %dma_start3A_95] : memref<200x128xi32, #tpu.memory_space<vmem>> -> memref<1x128xi32, #tpu.memory_space<vmem>>
      %dma_start3A_97 = tpu.memref_squeeze %dma_start3A_96 : memref<1x128xi32, #tpu.memory_space<vmem>> -> memref<128xi32, #tpu.memory_space<vmem>>
      %dma_start3A_98 = arith.constant 0 : i32
      %dma_start3A_99 = arith.constant 0 : i32
      %dma_start3A_100 = tpu.memref_slice %arg2[%dma_start3A_98, %dma_start3A_99] : memref<1000000x64xf32, #tpu.memory_space<hbm>> -> memref<1000000x64xf32, #tpu.memory_space<hbm>>
      tpu.enqueue_indirect_dma source(%dma_start3A_100 : memref<1000000x64xf32, #tpu.memory_space<hbm>>) target(%arg7 : memref<128x64xf32, #tpu.memory_space<vmem>>) offsets(%dma_start3A_97 : memref<128xi32, #tpu.memory_space<vmem>>) semaphore(%arg11 : memref<!tpu.dma_semaphore, #tpu.memory_space<semaphore_mem>>)
      %dma_wait3A_101 = arith.constant 0 : i32
      %dma_wait3A_102 = tpu.memref_slice %arg5[%mul3A_90, %dma_wait3A_101] : memref<200x128xi32, #tpu.memory_space<vmem>> -> memref<1x128xi32, #tpu.memory_space<vmem>>
      %dma_wait3A_103 = tpu.memref_squeeze %dma_wait3A_102 : memref<1x128xi32, #tpu.memory_space<vmem>> -> memref<128xi32, #tpu.memory_space<vmem>>
      %dma_wait3A_104 = arith.constant 0 : i32
      %dma_wait3A_105 = arith.constant 0 : i32
      %dma_wait3A_106 = tpu.memref_slice %arg2[%dma_wait3A_104, %dma_wait3A_105] : memref<1000000x64xf32, #tpu.memory_space<hbm>> -> memref<1000000x64xf32, #tpu.memory_space<hbm>>
      tpu.wait_indirect_dma semaphore(%arg10 : memref<!tpu.dma_semaphore, #tpu.memory_space<semaphore_mem>>) src(%dma_wait3A_106 : memref<1000000x64xf32, #tpu.memory_space<hbm>>) dst(%arg6 : memref<128x64xf32, #tpu.memory_space<vmem>>)
      %scan3A_107 = arith.constant 0 : i32
      %scan3A_108 = arith.constant 0 : i32
      %scan3A_109 = arith.constant 128 : i32
      %scan3A_110 = arith.addi %scan3A_108, %scan3A_109 : i32
      %scan3A_111 = arith.constant 2 : i32
      scf.for %scan3A_201 = %scan3A_108 to %scan3A_110 step %scan3A_111  : i32 {
        %add3A_202 = vector.broadcast %scan3A_201 : i32 to vector<16xi32>
        %add3A_203 = arith.addi %mul3A_39, %add3A_202 : vector<16xi32>
        %get3A = arith.index_cast %scan3A_201 : i32 to index
        %get3A_204 = arith.constant 0 : index
        %get3A_205 = tpu.vector_load %arg6[%get3A, %get3A_204] {strides = array<i32>} : memref<128x64xf32, #tpu.memory_space<vmem>>, vector<16xf32>,
        %mul3A_206 = arith.constant 8.000000e+00 : f32
        %mul3A_207 = vector.broadcast %mul3A_206 : f32 to vector<16xf32>
        %mul3A_208 = arith.mulf %get3A_205, %mul3A_207 : vector<16xf32>
        %get3A_209 = arith.index_cast %scan3A_201 : i32 to index
        %get3A_210 = arith.constant 16 : index
        %get3A_211 = tpu.vector_load %arg6[%get3A_209, %get3A_210] {strides = array<i32>} : memref<128x64xf32, #tpu.memory_space<vmem>>, vector<16xf32>,
        %mul3A_212 = arith.constant 8.000000e+00 : f32
        %mul3A_213 = vector.broadcast %mul3A_212 : f32 to vector<16xf32>
        %mul3A_214 = arith.mulf %get3A_211, %mul3A_213 : vector<16xf32>
        %get3A_215 = arith.index_cast %scan3A_201 : i32 to index
        %get3A_216 = arith.constant 32 : index
        %get3A_217 = tpu.vector_load %arg6[%get3A_215, %get3A_216] {strides = array<i32>} : memref<128x64xf32, #tpu.memory_space<vmem>>, vector<16xf32>,
        %mul3A_218 = arith.constant 8.000000e+00 : f32
        %mul3A_219 = vector.broadcast %mul3A_218 : f32 to vector<16xf32>
        %mul3A_220 = arith.mulf %get3A_217, %mul3A_219 : vector<16xf32>
        %get3A_221 = arith.index_cast %scan3A_201 : i32 to index
        %get3A_222 = arith.constant 48 : index
        %get3A_223 = tpu.vector_load %arg6[%get3A_221, %get3A_222] {strides = array<i32>} : memref<128x64xf32, #tpu.memory_space<vmem>>, vector<16xf32>,
        %mul3A_224 = arith.constant 8.000000e+00 : f32
        %mul3A_225 = vector.broadcast %mul3A_224 : f32 to vector<16xf32>
        %mul3A_226 = arith.mulf %get3A_223, %mul3A_225 : vector<16xf32>
        tpu.vector_store_idx %arg8[%shift_right_logical3A_7, %and3A_9, %add3A_203], %mul3A_208 : memref<8x8x129xf32, #tpu.memory_space<vmem>>[vector<16xi32>, vector<16xi32>, vector<16xi32>], vector<16xf32>,
        tpu.vector_store_idx %arg8[%shift_right_logical3A_15, %and3A_18, %add3A_203], %mul3A_214 : memref<8x8x129xf32, #tpu.memory_space<vmem>>[vector<16xi32>, vector<16xi32>, vector<16xi32>], vector<16xf32>,
        tpu.vector_store_idx %arg8[%shift_right_logical3A_24, %and3A_27, %add3A_203], %mul3A_220 : memref<8x8x129xf32, #tpu.memory_space<vmem>>[vector<16xi32>, vector<16xi32>, vector<16xi32>], vector<16xf32>,
        tpu.vector_store_idx %arg8[%shift_right_logical3A_33, %and3A_36, %add3A_203], %mul3A_226 : memref<8x8x129xf32, #tpu.memory_space<vmem>>[vector<16xi32>, vector<16xi32>, vector<16xi32>], vector<16xf32>,
        %scan3A_227 = arith.constant 1 : i32
        %scan3A_228 = arith.addi %scan3A_201, %scan3A_227 : i32
        %add3A_229 = vector.broadcast %scan3A_228 : i32 to vector<16xi32>
        %add3A_230 = arith.addi %mul3A_39, %add3A_229 : vector<16xi32>
        %get3A_231 = arith.index_cast %scan3A_228 : i32 to index
        %get3A_232 = arith.constant 0 : index
        %get3A_233 = tpu.vector_load %arg6[%get3A_231, %get3A_232] {strides = array<i32>} : memref<128x64xf32, #tpu.memory_space<vmem>>, vector<16xf32>,
        %mul3A_234 = arith.constant 8.000000e+00 : f32
        %mul3A_235 = vector.broadcast %mul3A_234 : f32 to vector<16xf32>
        %mul3A_236 = arith.mulf %get3A_233, %mul3A_235 : vector<16xf32>
        %get3A_237 = arith.index_cast %scan3A_228 : i32 to index
        %get3A_238 = arith.constant 16 : index
        %get3A_239 = tpu.vector_load %arg6[%get3A_237, %get3A_238] {strides = array<i32>} : memref<128x64xf32, #tpu.memory_space<vmem>>, vector<16xf32>,
        %mul3A_240 = arith.constant 8.000000e+00 : f32
        %mul3A_241 = vector.broadcast %mul3A_240 : f32 to vector<16xf32>
        %mul3A_242 = arith.mulf %get3A_239, %mul3A_241 : vector<16xf32>
        %get3A_243 = arith.index_cast %scan3A_228 : i32 to index
        %get3A_244 = arith.constant 32 : index
        %get3A_245 = tpu.vector_load %arg6[%get3A_243, %get3A_244] {strides = array<i32>} : memref<128x64xf32, #tpu.memory_space<vmem>>, vector<16xf32>,
        %mul3A_246 = arith.constant 8.000000e+00 : f32
        %mul3A_247 = vector.broadcast %mul3A_246 : f32 to vector<16xf32>
        %mul3A_248 = arith.mulf %get3A_245, %mul3A_247 : vector<16xf32>
        %get3A_249 = arith.index_cast %scan3A_228 : i32 to index
        %get3A_250 = arith.constant 48 : index
        %get3A_251 = tpu.vector_load %arg6[%get3A_249, %get3A_250] {strides = array<i32>} : memref<128x64xf32, #tpu.memory_space<vmem>>, vector<16xf32>,
        %mul3A_252 = arith.constant 8.000000e+00 : f32
        %mul3A_253 = vector.broadcast %mul3A_252 : f32 to vector<16xf32>
        %mul3A_254 = arith.mulf %get3A_251, %mul3A_253 : vector<16xf32>
        tpu.vector_store_idx %arg8[%shift_right_logical3A_7, %and3A_9, %add3A_230], %mul3A_236 : memref<8x8x129xf32, #tpu.memory_space<vmem>>[vector<16xi32>, vector<16xi32>, vector<16xi32>], vector<16xf32>,
        tpu.vector_store_idx %arg8[%shift_right_logical3A_15, %and3A_18, %add3A_230], %mul3A_242 : memref<8x8x129xf32, #tpu.memory_space<vmem>>[vector<16xi32>, vector<16xi32>, vector<16xi32>], vector<16xf32>,
        tpu.vector_store_idx %arg8[%shift_right_logical3A_24, %and3A_27, %add3A_230], %mul3A_248 : memref<8x8x129xf32, #tpu.memory_space<vmem>>[vector<16xi32>, vector<16xi32>, vector<16xi32>], vector<16xf32>,
        tpu.vector_store_idx %arg8[%shift_right_logical3A_33, %and3A_36, %add3A_230], %mul3A_254 : memref<8x8x129xf32, #tpu.memory_space<vmem>>[vector<16xi32>, vector<16xi32>, vector<16xi32>], vector<16xf32>,
      }
      %scan3A_112 = arith.constant 128 : i32
      %dma_start3A_113 = arith.constant 0 : i32
      %dma_start3A_114 = arith.constant 0 : i32
      %dma_start3A_115 = arith.constant 0 : i32
      %dma_start3A_116 = tpu.memref_slice %arg8[%dma_start3A_113, %dma_start3A_114, %dma_start3A_115] : memref<8x8x129xf32, #tpu.memory_space<vmem>> -> memref<8x8x128xf32, #tpu.memory_space<vmem>>
      %dma_start3A_117 = arith.constant 0 : i32
      %dma_start3A_118 = arith.constant 0 : i32
      %dma_start3A_119 = arith.constant 0 : i32
      %dma_start3A_120 = tpu.memref_slice %arg4[%mul3A_90, %dma_start3A_117, %add3A, %dma_start3A_118, %dma_start3A_119] : memref<200x8x32x8x128xf32, #tpu.memory_space<hbm>> -> memref<1x8x1x8x128xf32, #tpu.memory_space<hbm>>
      %dma_start3A_121 = tpu.memref_squeeze %dma_start3A_120 : memref<1x8x1x8x128xf32, #tpu.memory_space<hbm>> -> memref<8x8x128xf32, #tpu.memory_space<hbm>>
      %dma_start3A_122 = arith.constant 0 : i32
      %dma_start3A_123 = arith.constant 0 : i32
      %dma_start3A_124 = arith.constant 0 : i32
      %dma_start3A_125 = tpu.memref_slice %arg4[%mul3A_90, %dma_start3A_122, %add3A, %dma_start3A_123, %dma_start3A_124] : memref<200x8x32x8x128xf32, #tpu.memory_space<hbm>> -> memref<1x8x1x8x128xf32, #tpu.memory_space<hbm>>
      %dma_start3A_126 = tpu.memref_squeeze %dma_start3A_125 : memref<1x8x1x8x128xf32, #tpu.memory_space<hbm>> -> memref<8x8x128xf32, #tpu.memory_space<hbm>>
      %dma_start3A_127 = arith.constant 0 : i32
      %dma_start3A_128 = arith.constant 0 : i32
      %dma_start3A_129 = arith.constant 0 : i32
      %dma_start3A_130 = tpu.memref_slice %arg8[%dma_start3A_127, %dma_start3A_128, %dma_start3A_129] : memref<8x8x129xf32, #tpu.memory_space<vmem>> -> memref<8x8x128xf32, #tpu.memory_space<vmem>>
      tpu.enqueue_dma source(%dma_start3A_130 : memref<8x8x128xf32, #tpu.memory_space<vmem>>) target(%dma_start3A_126 : memref<8x8x128xf32, #tpu.memory_space<hbm>>) target_semaphore(%arg12 : memref<!tpu.dma_semaphore, #tpu.memory_space<semaphore_mem>>)
      %dma_start3A_131 = arith.constant 0 : i32
      %dma_start3A_132 = arith.constant 0 : i32
      %dma_start3A_133 = arith.constant 0 : i32
      %dma_start3A_134 = tpu.memref_slice %arg8[%dma_start3A_131, %dma_start3A_132, %dma_start3A_133] : memref<8x8x129xf32, #tpu.memory_space<vmem>> -> memref<8x8x128xf32, #tpu.memory_space<vmem>>
      %dma_start3A_135 = arith.constant 0 : i32
      %dma_start3A_136 = arith.constant 0 : i32
      %dma_start3A_137 = arith.constant 0 : i32
      %dma_start3A_138 = tpu.memref_slice %arg4[%mul3A_90, %dma_start3A_135, %add3A, %dma_start3A_136, %dma_start3A_137] : memref<200x8x32x8x128xf32, #tpu.memory_space<hbm>> -> memref<1x8x1x8x128xf32, #tpu.memory_space<hbm>>
      %dma_start3A_139 = tpu.memref_squeeze %dma_start3A_138 : memref<1x8x1x8x128xf32, #tpu.memory_space<hbm>> -> memref<8x8x128xf32, #tpu.memory_space<hbm>>
      %dma_start3A_140 = arith.constant 0 : i32
      %dma_start3A_141 = arith.constant 0 : i32
      %dma_start3A_142 = arith.constant 0 : i32
      %dma_start3A_143 = tpu.memref_slice %arg4[%mul3A_90, %dma_start3A_140, %add3A, %dma_start3A_141, %dma_start3A_142] : memref<200x8x32x8x128xf32, #tpu.memory_space<hbm>> -> memref<1x8x1x8x128xf32, #tpu.memory_space<hbm>>
      %dma_start3A_144 = tpu.memref_squeeze %dma_start3A_143 : memref<1x8x1x8x128xf32, #tpu.memory_space<hbm>> -> memref<8x8x128xf32, #tpu.memory_space<hbm>>
      %dma_start3A_145 = arith.constant 0 : i32
      %dma_start3A_146 = arith.constant 0 : i32
      %dma_start3A_147 = arith.constant 0 : i32
      %dma_start3A_148 = tpu.memref_slice %arg8[%dma_start3A_145, %dma_start3A_146, %dma_start3A_147] : memref<8x8x129xf32, #tpu.memory_space<vmem>> -> memref<8x8x128xf32, #tpu.memory_space<vmem>>
      tpu.enqueue_dma source(%dma_start3A_148 : memref<8x8x128xf32, #tpu.memory_space<vmem>>) target(%dma_start3A_144 : memref<8x8x128xf32, #tpu.memory_space<hbm>>) target_semaphore(%arg12 : memref<!tpu.dma_semaphore, #tpu.memory_space<semaphore_mem>>)
      %dma_wait3A_149 = arith.constant 0 : i32
      %dma_wait3A_150 = tpu.memref_slice %arg5[%add3A_92, %dma_wait3A_149] : memref<200x128xi32, #tpu.memory_space<vmem>> -> memref<1x128xi32, #tpu.memory_space<vmem>>
      %dma_wait3A_151 = tpu.memref_squeeze %dma_wait3A_150 : memref<1x128xi32, #tpu.memory_space<vmem>> -> memref<128xi32, #tpu.memory_space<vmem>>
      %dma_wait3A_152 = arith.constant 0 : i32
      %dma_wait3A_153 = arith.constant 0 : i32
      %dma_wait3A_154 = tpu.memref_slice %arg2[%dma_wait3A_152, %dma_wait3A_153] : memref<1000000x64xf32, #tpu.memory_space<hbm>> -> memref<1000000x64xf32, #tpu.memory_space<hbm>>
      tpu.wait_indirect_dma semaphore(%arg11 : memref<!tpu.dma_semaphore, #tpu.memory_space<semaphore_mem>>) src(%dma_wait3A_154 : memref<1000000x64xf32, #tpu.memory_space<hbm>>) dst(%arg7 : memref<128x64xf32, #tpu.memory_space<vmem>>)
      %lt3A = arith.constant 99 : i32
      %lt3A_155 = arith.cmpi slt, %scan3A_88, %lt3A : i32
      %convert_element_type3A_156 = arith.extui %lt3A_155 : i1 to i32
      %cond3A_157 = arith.constant 0 : i32
      %cond3A_158 = arith.cmpi ne, %convert_element_type3A_156, %cond3A_157 : i32
      scf.if %cond3A_158 {
        %dma_wait3A_201 = arith.constant 0 : i32
        %dma_wait3A_202 = arith.constant 0 : i32
        %dma_wait3A_203 = arith.constant 0 : i32
        %dma_wait3A_204 = tpu.memref_slice %arg8[%dma_wait3A_201, %dma_wait3A_202, %dma_wait3A_203] : memref<8x8x129xf32, #tpu.memory_space<vmem>> -> memref<8x8x128xf32, #tpu.memory_space<vmem>>
        %dma_wait3A_205 = arith.constant 0 : i32
        %dma_wait3A_206 = arith.constant 0 : i32
        %dma_wait3A_207 = arith.constant 0 : i32
        %dma_wait3A_208 = tpu.memref_slice %arg4[%mul3A_90, %dma_wait3A_205, %add3A, %dma_wait3A_206, %dma_wait3A_207] : memref<200x8x32x8x128xf32, #tpu.memory_space<hbm>> -> memref<1x8x1x8x128xf32, #tpu.memory_space<hbm>>
        %dma_wait3A_209 = tpu.memref_squeeze %dma_wait3A_208 : memref<1x8x1x8x128xf32, #tpu.memory_space<hbm>> -> memref<8x8x128xf32, #tpu.memory_space<hbm>>
        %dma_wait3A_210 = arith.constant 0 : i32
        %dma_wait3A_211 = arith.constant 0 : i32
        %dma_wait3A_212 = arith.constant 0 : i32
        %dma_wait3A_213 = tpu.memref_slice %arg4[%mul3A_90, %dma_wait3A_210, %add3A, %dma_wait3A_211, %dma_wait3A_212] : memref<200x8x32x8x128xf32, #tpu.memory_space<hbm>> -> memref<1x8x1x8x128xf32, #tpu.memory_space<hbm>>
        %dma_wait3A_214 = tpu.memref_squeeze %dma_wait3A_213 : memref<1x8x1x8x128xf32, #tpu.memory_space<hbm>> -> memref<8x8x128xf32, #tpu.memory_space<hbm>>
        %dma_wait3A_215 = arith.constant 0 : i32
        %dma_wait3A_216 = arith.constant 0 : i32
        %dma_wait3A_217 = arith.constant 0 : i32
        %dma_wait3A_218 = tpu.memref_slice %arg8[%dma_wait3A_215, %dma_wait3A_216, %dma_wait3A_217] : memref<8x8x129xf32, #tpu.memory_space<vmem>> -> memref<8x8x128xf32, #tpu.memory_space<vmem>>
        tpu.wait_dma2 semaphore(%arg12 : memref<!tpu.dma_semaphore, #tpu.memory_space<semaphore_mem>>) src(%dma_wait3A_218 : memref<8x8x128xf32, #tpu.memory_space<vmem>>) dst(%dma_wait3A_214 : memref<8x8x128xf32, #tpu.memory_space<hbm>>)
        %add3A_219 = arith.constant 2 : i32
        %add3A_220 = arith.addi %mul3A_90, %add3A_219 : i32
        %dma_start3A_221 = arith.constant 0 : i32
        %dma_start3A_222 = tpu.memref_slice %arg5[%add3A_220, %dma_start3A_221] : memref<200x128xi32, #tpu.memory_space<vmem>> -> memref<1x128xi32, #tpu.memory_space<vmem>>
        %dma_start3A_223 = tpu.memref_squeeze %dma_start3A_222 : memref<1x128xi32, #tpu.memory_space<vmem>> -> memref<128xi32, #tpu.memory_space<vmem>>
        %dma_start3A_224 = arith.constant 0 : i32
        %dma_start3A_225 = arith.constant 0 : i32
        %dma_start3A_226 = tpu.memref_slice %arg2[%dma_start3A_224, %dma_start3A_225] : memref<1000000x64xf32, #tpu.memory_space<hbm>> -> memref<1000000x64xf32, #tpu.memory_space<hbm>>
        tpu.enqueue_indirect_dma source(%dma_start3A_226 : memref<1000000x64xf32, #tpu.memory_space<hbm>>) target(%arg6 : memref<128x64xf32, #tpu.memory_space<vmem>>) offsets(%dma_start3A_223 : memref<128xi32, #tpu.memory_space<vmem>>) semaphore(%arg10 : memref<!tpu.dma_semaphore, #tpu.memory_space<semaphore_mem>>)
      } else {
      }
      %scan3A_159 = arith.constant 0 : i32
      %scan3A_160 = arith.constant 0 : i32
      %scan3A_161 = arith.constant 128 : i32
      %scan3A_162 = arith.addi %scan3A_160, %scan3A_161 : i32
      %scan3A_163 = arith.constant 2 : i32
      scf.for %scan3A_201 = %scan3A_160 to %scan3A_162 step %scan3A_163  : i32 {
        %add3A_202 = vector.broadcast %scan3A_201 : i32 to vector<16xi32>
        %add3A_203 = arith.addi %mul3A_39, %add3A_202 : vector<16xi32>
        %get3A = arith.index_cast %scan3A_201 : i32 to index
        %get3A_204 = arith.constant 0 : index
        %get3A_205 = tpu.vector_load %arg7[%get3A, %get3A_204] {strides = array<i32>} : memref<128x64xf32, #tpu.memory_space<vmem>>, vector<16xf32>,
        %mul3A_206 = arith.constant 8.000000e+00 : f32
        %mul3A_207 = vector.broadcast %mul3A_206 : f32 to vector<16xf32>
        %mul3A_208 = arith.mulf %get3A_205, %mul3A_207 : vector<16xf32>
        %get3A_209 = arith.index_cast %scan3A_201 : i32 to index
        %get3A_210 = arith.constant 16 : index
        %get3A_211 = tpu.vector_load %arg7[%get3A_209, %get3A_210] {strides = array<i32>} : memref<128x64xf32, #tpu.memory_space<vmem>>, vector<16xf32>,
        %mul3A_212 = arith.constant 8.000000e+00 : f32
        %mul3A_213 = vector.broadcast %mul3A_212 : f32 to vector<16xf32>
        %mul3A_214 = arith.mulf %get3A_211, %mul3A_213 : vector<16xf32>
        %get3A_215 = arith.index_cast %scan3A_201 : i32 to index
        %get3A_216 = arith.constant 32 : index
        %get3A_217 = tpu.vector_load %arg7[%get3A_215, %get3A_216] {strides = array<i32>} : memref<128x64xf32, #tpu.memory_space<vmem>>, vector<16xf32>,
        %mul3A_218 = arith.constant 8.000000e+00 : f32
        %mul3A_219 = vector.broadcast %mul3A_218 : f32 to vector<16xf32>
        %mul3A_220 = arith.mulf %get3A_217, %mul3A_219 : vector<16xf32>
        %get3A_221 = arith.index_cast %scan3A_201 : i32 to index
        %get3A_222 = arith.constant 48 : index
        %get3A_223 = tpu.vector_load %arg7[%get3A_221, %get3A_222] {strides = array<i32>} : memref<128x64xf32, #tpu.memory_space<vmem>>, vector<16xf32>,
        %mul3A_224 = arith.constant 8.000000e+00 : f32
        %mul3A_225 = vector.broadcast %mul3A_224 : f32 to vector<16xf32>
        %mul3A_226 = arith.mulf %get3A_223, %mul3A_225 : vector<16xf32>
        tpu.vector_store_idx %arg9[%shift_right_logical3A_7, %and3A_9, %add3A_203], %mul3A_208 : memref<8x8x129xf32, #tpu.memory_space<vmem>>[vector<16xi32>, vector<16xi32>, vector<16xi32>], vector<16xf32>,
        tpu.vector_store_idx %arg9[%shift_right_logical3A_15, %and3A_18, %add3A_203], %mul3A_214 : memref<8x8x129xf32, #tpu.memory_space<vmem>>[vector<16xi32>, vector<16xi32>, vector<16xi32>], vector<16xf32>,
        tpu.vector_store_idx %arg9[%shift_right_logical3A_24, %and3A_27, %add3A_203], %mul3A_220 : memref<8x8x129xf32, #tpu.memory_space<vmem>>[vector<16xi32>, vector<16xi32>, vector<16xi32>], vector<16xf32>,
        tpu.vector_store_idx %arg9[%shift_right_logical3A_33, %and3A_36, %add3A_203], %mul3A_226 : memref<8x8x129xf32, #tpu.memory_space<vmem>>[vector<16xi32>, vector<16xi32>, vector<16xi32>], vector<16xf32>,
        %scan3A_227 = arith.constant 1 : i32
        %scan3A_228 = arith.addi %scan3A_201, %scan3A_227 : i32
        %add3A_229 = vector.broadcast %scan3A_228 : i32 to vector<16xi32>
        %add3A_230 = arith.addi %mul3A_39, %add3A_229 : vector<16xi32>
        %get3A_231 = arith.index_cast %scan3A_228 : i32 to index
        %get3A_232 = arith.constant 0 : index
        %get3A_233 = tpu.vector_load %arg7[%get3A_231, %get3A_232] {strides = array<i32>} : memref<128x64xf32, #tpu.memory_space<vmem>>, vector<16xf32>,
        %mul3A_234 = arith.constant 8.000000e+00 : f32
        %mul3A_235 = vector.broadcast %mul3A_234 : f32 to vector<16xf32>
        %mul3A_236 = arith.mulf %get3A_233, %mul3A_235 : vector<16xf32>
        %get3A_237 = arith.index_cast %scan3A_228 : i32 to index
        %get3A_238 = arith.constant 16 : index
        %get3A_239 = tpu.vector_load %arg7[%get3A_237, %get3A_238] {strides = array<i32>} : memref<128x64xf32, #tpu.memory_space<vmem>>, vector<16xf32>,
        %mul3A_240 = arith.constant 8.000000e+00 : f32
        %mul3A_241 = vector.broadcast %mul3A_240 : f32 to vector<16xf32>
        %mul3A_242 = arith.mulf %get3A_239, %mul3A_241 : vector<16xf32>
        %get3A_243 = arith.index_cast %scan3A_228 : i32 to index
        %get3A_244 = arith.constant 32 : index
        %get3A_245 = tpu.vector_load %arg7[%get3A_243, %get3A_244] {strides = array<i32>} : memref<128x64xf32, #tpu.memory_space<vmem>>, vector<16xf32>,
        %mul3A_246 = arith.constant 8.000000e+00 : f32
        %mul3A_247 = vector.broadcast %mul3A_246 : f32 to vector<16xf32>
        %mul3A_248 = arith.mulf %get3A_245, %mul3A_247 : vector<16xf32>
        %get3A_249 = arith.index_cast %scan3A_228 : i32 to index
        %get3A_250 = arith.constant 48 : index
        %get3A_251 = tpu.vector_load %arg7[%get3A_249, %get3A_250] {strides = array<i32>} : memref<128x64xf32, #tpu.memory_space<vmem>>, vector<16xf32>,
        %mul3A_252 = arith.constant 8.000000e+00 : f32
        %mul3A_253 = vector.broadcast %mul3A_252 : f32 to vector<16xf32>
        %mul3A_254 = arith.mulf %get3A_251, %mul3A_253 : vector<16xf32>
        tpu.vector_store_idx %arg9[%shift_right_logical3A_7, %and3A_9, %add3A_230], %mul3A_236 : memref<8x8x129xf32, #tpu.memory_space<vmem>>[vector<16xi32>, vector<16xi32>, vector<16xi32>], vector<16xf32>,
        tpu.vector_store_idx %arg9[%shift_right_logical3A_15, %and3A_18, %add3A_230], %mul3A_242 : memref<8x8x129xf32, #tpu.memory_space<vmem>>[vector<16xi32>, vector<16xi32>, vector<16xi32>], vector<16xf32>,
        tpu.vector_store_idx %arg9[%shift_right_logical3A_24, %and3A_27, %add3A_230], %mul3A_248 : memref<8x8x129xf32, #tpu.memory_space<vmem>>[vector<16xi32>, vector<16xi32>, vector<16xi32>], vector<16xf32>,
        tpu.vector_store_idx %arg9[%shift_right_logical3A_33, %and3A_36, %add3A_230], %mul3A_254 : memref<8x8x129xf32, #tpu.memory_space<vmem>>[vector<16xi32>, vector<16xi32>, vector<16xi32>], vector<16xf32>,
      }
      %scan3A_164 = arith.constant 128 : i32
      %dma_start3A_165 = arith.constant 0 : i32
      %dma_start3A_166 = arith.constant 0 : i32
      %dma_start3A_167 = arith.constant 0 : i32
      %dma_start3A_168 = tpu.memref_slice %arg9[%dma_start3A_165, %dma_start3A_166, %dma_start3A_167] : memref<8x8x129xf32, #tpu.memory_space<vmem>> -> memref<8x8x128xf32, #tpu.memory_space<vmem>>
      %dma_start3A_169 = arith.constant 0 : i32
      %dma_start3A_170 = arith.constant 0 : i32
      %dma_start3A_171 = arith.constant 0 : i32
      %dma_start3A_172 = tpu.memref_slice %arg4[%add3A_92, %dma_start3A_169, %add3A, %dma_start3A_170, %dma_start3A_171] : memref<200x8x32x8x128xf32, #tpu.memory_space<hbm>> -> memref<1x8x1x8x128xf32, #tpu.memory_space<hbm>>
      %dma_start3A_173 = tpu.memref_squeeze %dma_start3A_172 : memref<1x8x1x8x128xf32, #tpu.memory_space<hbm>> -> memref<8x8x128xf32, #tpu.memory_space<hbm>>
      %dma_start3A_174 = arith.constant 0 : i32
      %dma_start3A_175 = arith.constant 0 : i32
      %dma_start3A_176 = arith.constant 0 : i32
      %dma_start3A_177 = tpu.memref_slice %arg4[%add3A_92, %dma_start3A_174, %add3A, %dma_start3A_175, %dma_start3A_176] : memref<200x8x32x8x128xf32, #tpu.memory_space<hbm>> -> memref<1x8x1x8x128xf32, #tpu.memory_space<hbm>>
      %dma_start3A_178 = tpu.memref_squeeze %dma_start3A_177 : memref<1x8x1x8x128xf32, #tpu.memory_space<hbm>> -> memref<8x8x128xf32, #tpu.memory_space<hbm>>
      %dma_start3A_179 = arith.constant 0 : i32
      %dma_start3A_180 = arith.constant 0 : i32
      %dma_start3A_181 = arith.constant 0 : i32
      %dma_start3A_182 = tpu.memref_slice %arg9[%dma_start3A_179, %dma_start3A_180, %dma_start3A_181] : memref<8x8x129xf32, #tpu.memory_space<vmem>> -> memref<8x8x128xf32, #tpu.memory_space<vmem>>
      tpu.enqueue_dma source(%dma_start3A_182 : memref<8x8x128xf32, #tpu.memory_space<vmem>>) target(%dma_start3A_178 : memref<8x8x128xf32, #tpu.memory_space<hbm>>) target_semaphore(%arg13 : memref<!tpu.dma_semaphore, #tpu.memory_space<semaphore_mem>>)
      %dma_start3A_183 = arith.constant 0 : i32
      %dma_start3A_184 = arith.constant 0 : i32
      %dma_start3A_185 = arith.constant 0 : i32
      %dma_start3A_186 = tpu.memref_slice %arg9[%dma_start3A_183, %dma_start3A_184, %dma_start3A_185] : memref<8x8x129xf32, #tpu.memory_space<vmem>> -> memref<8x8x128xf32, #tpu.memory_space<vmem>>
      %dma_start3A_187 = arith.constant 0 : i32
      %dma_start3A_188 = arith.constant 0 : i32
      %dma_start3A_189 = arith.constant 0 : i32
      %dma_start3A_190 = tpu.memref_slice %arg4[%add3A_92, %dma_start3A_187, %add3A, %dma_start3A_188, %dma_start3A_189] : memref<200x8x32x8x128xf32, #tpu.memory_space<hbm>> -> memref<1x8x1x8x128xf32, #tpu.memory_space<hbm>>
      %dma_start3A_191 = tpu.memref_squeeze %dma_start3A_190 : memref<1x8x1x8x128xf32, #tpu.memory_space<hbm>> -> memref<8x8x128xf32, #tpu.memory_space<hbm>>
      %dma_start3A_192 = arith.constant 0 : i32
      %dma_start3A_193 = arith.constant 0 : i32
      %dma_start3A_194 = arith.constant 0 : i32
      %dma_start3A_195 = tpu.memref_slice %arg4[%add3A_92, %dma_start3A_192, %add3A, %dma_start3A_193, %dma_start3A_194] : memref<200x8x32x8x128xf32, #tpu.memory_space<hbm>> -> memref<1x8x1x8x128xf32, #tpu.memory_space<hbm>>
      %dma_start3A_196 = tpu.memref_squeeze %dma_start3A_195 : memref<1x8x1x8x128xf32, #tpu.memory_space<hbm>> -> memref<8x8x128xf32, #tpu.memory_space<hbm>>
      %dma_start3A_197 = arith.constant 0 : i32
      %dma_start3A_198 = arith.constant 0 : i32
      %dma_start3A_199 = arith.constant 0 : i32
      %dma_start3A_200 = tpu.memref_slice %arg9[%dma_start3A_197, %dma_start3A_198, %dma_start3A_199] : memref<8x8x129xf32, #tpu.memory_space<vmem>> -> memref<8x8x128xf32, #tpu.memory_space<vmem>>
      tpu.enqueue_dma source(%dma_start3A_200 : memref<8x8x128xf32, #tpu.memory_space<vmem>>) target(%dma_start3A_196 : memref<8x8x128xf32, #tpu.memory_space<hbm>>) target_semaphore(%arg13 : memref<!tpu.dma_semaphore, #tpu.memory_space<semaphore_mem>>)
    }
    %scan3A_50 = arith.constant 100 : i32
    %dma_wait3A = arith.constant 198 : i32
    %dma_wait3A_51 = arith.constant 0 : i32
    %dma_wait3A_52 = arith.constant 0 : i32
    %dma_wait3A_53 = arith.constant 0 : i32
    %dma_wait3A_54 = tpu.memref_slice %arg8[%dma_wait3A_51, %dma_wait3A_52, %dma_wait3A_53] : memref<8x8x129xf32, #tpu.memory_space<vmem>> -> memref<8x8x128xf32, #tpu.memory_space<vmem>>
    %dma_wait3A_55 = arith.constant 0 : i32
    %dma_wait3A_56 = arith.constant 0 : i32
    %dma_wait3A_57 = arith.constant 0 : i32
    %dma_wait3A_58 = tpu.memref_slice %arg4[%dma_wait3A, %dma_wait3A_55, %add3A, %dma_wait3A_56, %dma_wait3A_57] : memref<200x8x32x8x128xf32, #tpu.memory_space<hbm>> -> memref<1x8x1x8x128xf32, #tpu.memory_space<hbm>>
    %dma_wait3A_59 = tpu.memref_squeeze %dma_wait3A_58 : memref<1x8x1x8x128xf32, #tpu.memory_space<hbm>> -> memref<8x8x128xf32, #tpu.memory_space<hbm>>
    %dma_wait3A_60 = arith.constant 0 : i32
    %dma_wait3A_61 = arith.constant 0 : i32
    %dma_wait3A_62 = arith.constant 0 : i32
    %dma_wait3A_63 = tpu.memref_slice %arg4[%dma_wait3A, %dma_wait3A_60, %add3A, %dma_wait3A_61, %dma_wait3A_62] : memref<200x8x32x8x128xf32, #tpu.memory_space<hbm>> -> memref<1x8x1x8x128xf32, #tpu.memory_space<hbm>>
    %dma_wait3A_64 = tpu.memref_squeeze %dma_wait3A_63 : memref<1x8x1x8x128xf32, #tpu.memory_space<hbm>> -> memref<8x8x128xf32, #tpu.memory_space<hbm>>
    %dma_wait3A_65 = arith.constant 0 : i32
    %dma_wait3A_66 = arith.constant 0 : i32
    %dma_wait3A_67 = arith.constant 0 : i32
    %dma_wait3A_68 = tpu.memref_slice %arg8[%dma_wait3A_65, %dma_wait3A_66, %dma_wait3A_67] : memref<8x8x129xf32, #tpu.memory_space<vmem>> -> memref<8x8x128xf32, #tpu.memory_space<vmem>>
    tpu.wait_dma2 semaphore(%arg12 : memref<!tpu.dma_semaphore, #tpu.memory_space<semaphore_mem>>) src(%dma_wait3A_68 : memref<8x8x128xf32, #tpu.memory_space<vmem>>) dst(%dma_wait3A_64 : memref<8x8x128xf32, #tpu.memory_space<hbm>>)
    %dma_wait3A_69 = arith.constant 199 : i32
    %dma_wait3A_70 = arith.constant 0 : i32
    %dma_wait3A_71 = arith.constant 0 : i32
    %dma_wait3A_72 = arith.constant 0 : i32
    %dma_wait3A_73 = tpu.memref_slice %arg8[%dma_wait3A_70, %dma_wait3A_71, %dma_wait3A_72] : memref<8x8x129xf32, #tpu.memory_space<vmem>> -> memref<8x8x128xf32, #tpu.memory_space<vmem>>
    %dma_wait3A_74 = arith.constant 0 : i32
    %dma_wait3A_75 = arith.constant 0 : i32
    %dma_wait3A_76 = arith.constant 0 : i32
    %dma_wait3A_77 = tpu.memref_slice %arg4[%dma_wait3A_69, %dma_wait3A_74, %add3A, %dma_wait3A_75, %dma_wait3A_76] : memref<200x8x32x8x128xf32, #tpu.memory_space<hbm>> -> memref<1x8x1x8x128xf32, #tpu.memory_space<hbm>>
    %dma_wait3A_78 = tpu.memref_squeeze %dma_wait3A_77 : memref<1x8x1x8x128xf32, #tpu.memory_space<hbm>> -> memref<8x8x128xf32, #tpu.memory_space<hbm>>
    %dma_wait3A_79 = arith.constant 0 : i32
    %dma_wait3A_80 = arith.constant 0 : i32
    %dma_wait3A_81 = arith.constant 0 : i32
    %dma_wait3A_82 = tpu.memref_slice %arg4[%dma_wait3A_69, %dma_wait3A_79, %add3A, %dma_wait3A_80, %dma_wait3A_81] : memref<200x8x32x8x128xf32, #tpu.memory_space<hbm>> -> memref<1x8x1x8x128xf32, #tpu.memory_space<hbm>>
    %dma_wait3A_83 = tpu.memref_squeeze %dma_wait3A_82 : memref<1x8x1x8x128xf32, #tpu.memory_space<hbm>> -> memref<8x8x128xf32, #tpu.memory_space<hbm>>
    %dma_wait3A_84 = arith.constant 0 : i32
    %dma_wait3A_85 = arith.constant 0 : i32
    %dma_wait3A_86 = arith.constant 0 : i32
    %dma_wait3A_87 = tpu.memref_slice %arg8[%dma_wait3A_84, %dma_wait3A_85, %dma_wait3A_86] : memref<8x8x129xf32, #tpu.memory_space<vmem>> -> memref<8x8x128xf32, #tpu.memory_space<vmem>>
    tpu.wait_dma2 semaphore(%arg13 : memref<!tpu.dma_semaphore, #tpu.memory_space<semaphore_mem>>) src(%dma_wait3A_87 : memref<8x8x128xf32, #tpu.memory_space<vmem>>) dst(%dma_wait3A_83 : memref<8x8x128xf32, #tpu.memory_space<hbm>>)
    return
  }
}

</mosaic_0001>

<sc_bundles>
// kernel: kernel.3.cloned.1.call-start
scs
__scs_entry_jumppad:
0x0: {  	(pc) =	sbr.rel $0x88, $3  }
0x1: {  	(tag) =	ssettag $0x0;
	lr =	simm.s32 $0x1  }
0x2: {  	[smem:$0x3F9F] =	sst lr;
	_ =	strace $0xD0000000  }
0x3: {  	_ = 	snop  }
0x4: {  	_ = 	snop  }
0x5: {  	_ = 	snop  }
0x6: {  	_ = 	snop  }
0x7: {  	_ = 	snop  }
__scs_overlays_trampoline_lowered:
0x8: {  	[smem:$0x3FAE] =	sst s0  }
0x9: {  	[smem:$0x3FAF] =	sst s1  }
0xa: {  	[smem:$0x3FB0] =	sst s2  }
0xb: {  	[smem:$0x3FB1] =	sst s3  }
0xc: {  	[smem:$0x3FB2] =	sst s4  }
0xd: {  	[smem:$0x3FB3] =	sst s5  }
0xe: {  	[smem:$0x3FB4] =	sst s6  }
0xf: {  	[smem:$0x3FB5] =	sst s7  }
0x10: {  	[smem:$0x3FB6] =	sst s8  }
0x11: {  	[smem:$0x3FB7] =	sst s9;
	s0 =	simm.s32 @!p0 $0x0  }
0x12: {  	s1 =	sld [smem:$0x3F9D];
	s0 =	simm.s32 @p0 $0x1  }
0x13: {  	[smem:$0x3FB8] =	sst s0;
	s0 =	simm.s32 @!p1 $0x0  }
0x14: {  	s2 =	sld [smem:$0x3F9C];
	s0 =	simm.s32 @p1 $0x1  }
0x15: {  	[smem:$0x3FB9] =	sst s0;
	s0 =	simm.s32 @!p2 $0x0  }
0x16: {  	s3 =	sld [smem:$0x3FDB];
	s0 =	simm.s32 @p2 $0x1  }
0x17: {  	s4 =	simm.s32 $0x1BF5;
	[smem:$0x3FBB] =	sst s0  }
0x18: {  	s0 =	sld [smem:$0x3F9E];
	_ =	swait.ge [sflag:s4], $0x0  }
0x19: {  	s7 =	sld [smem:$0x3F9F]  }
0x1a: {  	s8 =	sadd.s32 $0xFFFFE003, lr  }
0x1b: {  	s9 =	sadd.s32 $0xFFFFFEF7, lr;
	s5 =	simm.s32 $0xFFFFFFFF;
	p2 =	slt.u32 s8, $0xFFFFF086  }
0x1c: {  	p1 =	slt.u32 s9, $0xF7A;
	s5 =	simm.s32 @!p2 $0x0  }
0x1d: {  	s5 =	simm.s32 @p1 $0x1;
	p0 =	seq.s32 s7, s2  }
0x1e: {  	s7 =	smul.u32 @!p0 $0xF7A, s2;
	p2 =	seq.s32 @!p0 s5, $0x0  }
0x1f: {  	s9 =	smul.u32 $0xF7A, s1;
	s8 =	simm.s32 @!p0 $0x1BF5;
	p2 =	por !p2, p0  }
0x20: {  	[sflag:s8] =	ssyncset.s32 @!p0 $0xFFFFF086;
	s6 =	sadd.s32 @!p0 s3, s7;
	s7 =	simm.s32 @!p0 $0x108  }
0x21: {  	s3 =	sadd.s32 s3, s9;
	s6 =	sadd.s32 @!p0 $0x88, s6;
	s7 =	simm.s32 @p2 $0x1082  }
0x22: {  	[simem:s7], [sflag:s8] =	dma.local @!p0 [hbm:s6], $0xF7A  }
0x23: {  	s9 =	sor.u32 $0xD0000000, s2;
	s6 =	simm.s32 $0x108;
	_ =	swait.ge @!p0 [sflag:s8], $0x0  }
0x24: {  	s3 =	sadd.s32 $0x88, s3;
	s6 =	simm.s32 @!p1 $0x1082;
	[sflag:s4] =	ssyncset.s32 $0xFFFFF086  }
0x25: {  	[simem:s6], [sflag:s4] =	dma.local [hbm:s3], $0xF7A  }
0x26: {  	[smem:$0x3F9F] =	sst s1;
	(tag) =	ssettag s2;
	_ =	strace s9  }
0x27: {  	s1 =	sld [smem:$0x3FAF]  }
0x28: {  	s2 =	sld [smem:$0x3FB0]  }
0x29: {  	s4 =	sld [smem:$0x3FB2]  }
0x2a: {  	p0 =	seq.s32 s5, $0x0;
	s5 =	sld [smem:$0x3FB3]  }
0x2b: {  	s6 =	sld [smem:$0x3FB4]  }
0x2c: {  	s7 =	sld [smem:$0x3FB5]  }
0x2d: {  	s3 =	simm.s32 $0x108;
	s8 =	sld [smem:$0x3FB6]  }
0x2e: {  	s3 =	simm.s32 @!p0 $0x1082;
	s9 =	sld [smem:$0x3FB7]  }
0x2f: {  	lr =	sadd.s32 s0, s3;
	s0 =	sld [smem:$0x3FAE]  }
0x30: {  	s3 =	sld [smem:$0x3FB1]  }
0x31: {  	[smem:$0x3FBA] =	sst s10  }
0x32: {  	s10 =	sld [smem:$0x3FB8];
	_ =	sdelay $0x3  }
0x33: {  	p0 =	seq.s32 s10, $0x1;
	s10 =	sld [smem:$0x3FBA];
	_ =	sdelay $0x3  }
0x34: {  	[smem:$0x3FBA] =	sst s10  }
0x35: {  	s10 =	sld [smem:$0x3FB9];
	_ =	sdelay $0x3  }
0x36: {  	p1 =	seq.s32 s10, $0x1;
	s10 =	sld [smem:$0x3FBA];
	_ =	sdelay $0x3  }
0x37: {  	[smem:$0x3FBA] =	sst s10  }
0x38: {  	s10 =	sld [smem:$0x3FBB]  }
0x39: {  	_ = 	snop;
	(pc) =	sbr.ind lr, $3  }
0x3a: {  	_ = 	snop  }
0x3b: {  	_ = 	snop  }
0x3c: {  	p2 =	seq.s32 s10, $0x1;
	s10 =	sld [smem:$0x3FBA]  }
0x3d: {  	_ =	shalt  }
0x3e: {  	_ =	shalt  }
0x3f: {  	_ =	shalt  }
0x40: {  	_ =	shalt  }
0x41: {  	_ =	shalt  }
0x42: {  	_ =	shalt  }
0x43: {  	_ =	shalt  }
0x44: {  	_ =	shalt  }
0x45: {  	_ =	shalt  }
0x46: {  	_ =	shalt  }
0x47: {  	_ =	shalt  }
0x48: {  	_ =	shalt  }
0x49: {  	_ =	shalt  }
0x4a: {  	_ =	shalt  }
0x4b: {  	_ =	shalt  }
0x4c: {  	_ =	shalt  }
0x4d: {  	_ =	shalt  }
0x4e: {  	_ =	shalt  }
0x4f: {  	_ =	shalt  }
0x50: {  	_ =	shalt  }
0x51: {  	_ =	shalt  }
0x52: {  	_ =	shalt  }
0x53: {  	_ =	shalt  }
0x54: {  	_ =	shalt  }
0x55: {  	_ =	shalt  }
0x56: {  	_ =	shalt  }
0x57: {  	_ =	shalt  }
0x58: {  	_ =	shalt  }
0x59: {  	_ =	shalt  }
0x5a: {  	_ =	shalt  }
0x5b: {  	_ =	shalt  }
0x5c: {  	_ =	shalt  }
0x5d: {  	_ =	shalt  }
0x5e: {  	_ =	shalt  }
0x5f: {  	_ =	shalt  }
0x60: {  	_ =	shalt  }
0x61: {  	_ =	shalt  }
0x62: {  	_ =	shalt  }
0x63: {  	_ =	shalt  }
0x64: {  	_ =	shalt  }
0x65: {  	_ =	shalt  }
0x66: {  	_ =	shalt  }
0x67: {  	_ =	shalt  }
0x68: {  	_ =	shalt  }
0x69: {  	_ =	shalt  }
0x6a: {  	_ =	shalt  }
0x6b: {  	_ =	shalt  }
0x6c: {  	_ =	shalt  }
0x6d: {  	_ =	shalt  }
0x6e: {  	_ =	shalt  }
0x6f: {  	_ =	shalt  }
0x70: {  	_ =	shalt  }
0x71: {  	_ =	shalt  }
0x72: {  	_ =	shalt  }
0x73: {  	_ =	shalt  }
0x74: {  	_ =	shalt  }
0x75: {  	_ =	shalt  }
0x76: {  	_ =	shalt  }
0x77: {  	_ =	shalt  }
0x78: {  	_ =	shalt  }
0x79: {  	_ =	shalt  }
0x7a: {  	_ =	shalt  }
0x7b: {  	_ =	shalt  }
0x7c: {  	_ =	shalt  }
0x7d: {  	_ =	shalt  }
0x7e: {  	_ =	shalt  }
0x7f: {  	_ =	shalt  }
0x80: {  	_ =	shalt  }
0x81: {  	_ =	shalt  }
0x82: {  	_ =	shalt  }
0x83: {  	_ =	shalt  }
0x84: {  	_ =	shalt  }
0x85: {  	_ =	shalt  }
0x86: {  	_ =	shalt  }
0x87: {  	_ =	shalt  }
.Lfunc_end0:
.L_simem_size_0:
called_computation_lowered:
.L_overlay_start_0:
0x88: {  	s2 =	sld [smem:$0x3FD9]  }
0x89: {  	s3 =	sld [smem:$0x3FFE];
	_ =	sdelay $0x1  }
0x8a: {  	s1 =	srdreg.scid  }
0x8b: {  	s0 =	sand.u32 $0x1, s1  }
0x8c: {  	s17 =	sshll.u32 s0, $0xA;
	s2 =	sadd.s32 s3, s2  }
0x8d: {  	s2 =	sadd.s32 s2, s17  }
0x8e: {  	[smem:$0x3FC6] =	sst s2  }
0x8f: {  	_ = 	snop  }
0x90: {  	s2 =	sld [smem:$0x3FD0];
	(tm) =	ssettm $0x1  }
0x91: {  	s18 =	sld [smem:$0x3FFB];
	_ =	sdelay $0x3  }
0x92: {  	_ =	strace s18  }
0x93: {  	s3 =	sld [smem:$0x3FFC];
	_ =	sdelay $0x3  }
0x94: {  	_ =	strace s3  }
0x95: {  	s3 =	sld [smem:$0x3FFD];
	_ =	sdelay $0x3  }
0x96: {  	_ =	strace s3  }
0x97: {  	_ =	strace $0x8FFFFFFF  }
0x98: {  	s19 =	sld [smem:$0x3FDB];
	_ =	sdelay $0x1  }
0x99: {  	s4 =	simm.s32 $_scs_section_size  }
0x9a: {  	s5 =	simm.s32 $_size__tile_overlayer_lowered;
	s6 =	simm.s32 $_tile_overlayer_lowered  }
0x9b: {  	s22 =	simm.s32 $0x1BFF;
	s21 =	sshll.u32 s6, $0x1;
	s3 =	sadd.s32 s4, s19  }
0x9c: {  	s7 =	simm.s32 $0x0;
	s20 =	sshll.u32 s5, $0x1;
	s5 =	sadd.s32 s21, s3  }
0x9d: {  	[timem:s7], [sflag:s22] =	dma.local [hbm:s5], s20  }
0x9e: {  	_ =	swait.ge [sflag:s22], s20  }
0x9f: {  	s4 =	ssub.s32 $0x0, s20;
	[sflag:s22] =	ssyncset.done $0x0  }
0xa0: {  	[sflag:s22] =	ssyncadd.s32 s4;
	_ =	sdelay $0x1  }
0xa1: {  	s23 =	simm.s32 $0x1B8B  }
0xa2: {  	_ =	swait.ge [sflag:s23], $0x1  }
0xa3: {  	[sflag:s23] =	ssyncset.done $0x0  }
0xa4: {  	s25 =	simm.s32 $0x1B8E;
	s24 =	sld [smem:$0x3FFE];
	[sflag:s23] =	ssyncadd.s32 $0xFFFFFFFF  }
0xa5: {  	s26 =	simm.s32 $execute0_lowered;
	[smem:$0x3FD2] =	sst s25  }
0xa6: {  	s5 =	sshll.u32 s26, $0x1;
	_ =	strace $0x80000046;
	[dreg:$0x1] =	wrdreg $0xFFFFFFFF  }
0xa7: {  	s28 =	simm.s32 $_size_execute0_lowered;
	s3 =	sadd.s32 s3, s5;
	[dreg:$0x0] =	wrdreg $0x0  }
0xa8: {  	s5 =	sshll.u32 s28, $0x1;
	[dreg:$0x2] =	wrdreg s3  }
0xa9: {  	[dreg:$0x3] =	wrdreg s5  }
0xaa: {  	[dreg:$0x4] =	wrdreg $0xC0  }
0xab: {  	_ =	task [dreg:s7], $0x5FFFF  }
0xac: {  	[dreg:$0x1] =	wrdreg $0xFFFFFFFF  }
0xad: {  	[dreg:$0x0] =	wrdreg $0x60  }
0xae: {  	[dreg:$0x2] =	wrdreg s24  }
0xaf: {  	[dreg:$0x3] =	wrdreg s2  }
0xb0: {  	[dreg:$0x4] =	wrdreg $0x9  }
0xb1: {  	_ =	task.clear_ibuf [dreg:s7], $0x5FFFF;
	_ =	strace $0x90000046  }
0xb2: {  	s29 =	simm.s32 $0x9;
	_ =	strace $0x80000048  }
0xb3: {  	_ =	swait.ge [sflag:s29], $0x1  }
0xb4: {  	[sflag:s29] =	ssyncadd.s32 $0xFFFFFFFF  }
0xb5: {  	_ =	strace $0x90000048  }
0xb6: {  	_ =	sfence  }
0xb7: {  	s30 =	sld [smem:$0x0];
	_ =	sdelay $0x2  }
0xb8: {  	s31 =	sshll.u32 s1, $0xD;
	s1 =	sshrl.u32 s1, $0x2  }
0xb9: {  	s3 =	sand.u32 $0x4000, s31;
	s1 =	sadd.s32 s1, s30  }
0xba: {  	s0 =	sor.u32 s3, s0;
	s1 =	sshll.u32 s1, $0x11  }
0xbb: {  	s0 =	sor.u32 s1, s0  }
0xbc: {  	s0 =	sadd.s32 $0x8F2B, s0  }
0xbd: {  	[sflag:s0] =	ssyncadd.remote.s32 $0x1  }
0xbe: {  	_ =	sfence.sel $0xFFFF  }
0xbf: {  	[dreg:$0x0] =	wrdreg $0xFFFFFFFF;
	(pc) =	sbr.abs _section_cstart, $3  }
0xc0: {  	[dreg:$0x1] =	wrdreg $0xFFFFFFFF  }
0xc1: {  	_ =	task.clear_ibuf [dreg:s7], $0x2FFFF;
	_ =	strace $0x9FFFFFFF  }
0xc2: {  	(tm) =	ssettm $0x7FFFFFFF  }
0xc3: {  	_ =	shalt  }
tec
execute0_lowered:
.L_overlay_start_1:
0x0: {  	(tag) =	ssettag $0x1  }
0x1: {  	s0 =	rddreg [dreg:$0x0]  }
0x2: {  	s2 =	rddreg [dreg:$0x1]  }
0x3: {  	s1 =	srdreg.scid;
	s4 =	stileid.u32;
	s3 =	simm.s32 $0x0  }
0x4: {  	s13 =	simm.s32 $0x1;
	s1 =	sand.u32 $0x1, s1;
	s4 =	sshll.u32 s4, $0x1  }
0x5: {  	s14 =	simm.s32 $0xA400;
	s15 =	simm.s32 $0x2;
	s5 =	sor.u32 s1, s4  }
0x6: {  	s16 =	simm.s32 $0xC600;
	s1 =	ssub.s32 $0x2, s1;
	s6 =	sshll.u32 s5, $0x4  }
0x7: {  	v0 =	vlaneseq.u32;
	s4 =	sadd.s32 $0xF42A00, s0;
	s7 =	sshrl.u32 s1, $0x1;
	s0 =	sadd.s32 s6, s0  }
0x8: {  	[smem:$0x7FF] =	sst s3;
	v0 =	vmul.u32 $0x88, v0;
	s1 =	ssub.s32 s1, s7;
	s0 =	sadd.s32 $0x600, s0  }
0x9: {  	_ =	strace $0x80000047;
	s31 =	smax.u32 s1, $0x1;
	[dreg:$0x3] =	wrdreg s0  }
0xa: {  	v1 =	vadd.s32 $0x880, v0;
	v2 =	vadd.s32 $0x1100, v0;
	v3 =	vadd.s32 $0x1980, v0;
	s6 =	sshll.u32 s5, $0xA;
	s5 =	simm.s32 $0x0;
	[dreg:$0x4] =	wrdreg s31  }
.LBB2_1:
0xb: {  	[dreg:$0x5] =	wrdreg s5  }
0xc: {  	s0 =	rddreg [dreg:$0x3]  }
0xd: {  	s1 =	simm.s32 $0x80;
	s29 =	simm.s32 $0x1000;
	s30 =	simm.s32 $0x5  }
0xe: {  	[tilespmem:s3], [sflag:$0x5] =	stream.strided.gather [hbm4b:s0+s1], $0x6400, s29, s1, $0x38;
	[tilespmem:$0xE800] =	vst v63  }
0xf: {  	_ =	swait.ge [sflag:s30], $0x6400  }
0x10: {  	[sflag:s30] =	ssyncset.done $0x0  }
0x11: {  	s31 =	simm.s32 $0x6400;
	s20 =	simm.s32 $0x0;
	[sflag:s30] =	ssyncadd.s32 $0xFFFF9C00  }
0x12: {  	[tilespmem:s31], [sflag:$0x1] =	stream.indirect.gather [hbm4b:s4+s1], $0x40, s3, s1, $0xb8;
	[tilespmem:$0xE800] =	vst v63  }
.LBB2_2:
0x13: {  	p0 =	seq.s32 s20, $0x0  }
0x14: {  	s0 =	simm.s32 @!p0 $0x4  }
0x15: {  	s21 =	sshllo.u32 s20, $0x1;
	_ =	swait.ge @!p0 [sflag:s0], $0x2000  }
0x16: {  	s29 =	simm.s32 $0x80;
	s1 =	sshll.u32 s21, $0x7;
	[sflag:s0] =	ssyncset.done @!p0 $0x0  }
0x17: {  	s5 =	simm.s32 $0x8400;
	s28 =	sand.u32 $0x3FFFFF80, s1;
	[sflag:s0] =	ssyncadd.s32 @!p0 $0xFFFFE000  }
0x18: {  	[tilespmem:s5], [sflag:$0x2] =	stream.indirect.gather [hbm4b:s4+s29], $0x40, s28, s29, $0xb8;
	[tilespmem:$0xE800] =	vst v63  }
0x19: {  	_ =	swait.ge [sflag:s13], $0x2000  }
0x1a: {  	[sflag:s13] =	ssyncset.done $0x0  }
0x1b: {  	s30 =	simm.s32 $0x0;
	s22 =	simm.s32 $0x6440;
	[sflag:s13] =	ssyncadd.s32 $0xFFFFE000  }
0x1c: {  	v4 =	vmov s30;
	v5 =	vld [tilespmem:s22+$0xFFFFFFC0]  }
0x1d: {  	v4 =	vand.u32 $0x7E, v4;
	v6 =	vld [tilespmem:s22+$0xFFFFFFD0]  }
0x1e: {  	v8 =	vadd.s32 v0, v4;
	v7 =	vld [tilespmem:s22+$0xFFFFFFE0]  }
0x1f: {  	v10 =	vadd.s32 v1, v4;
	v9 =	vld [tilespmem:s22+$0xFFFFFFF0]  }
0x20: {  	v11 =	vadd.s32 v2, v4  }
0x21: {  	v4 =	vadd.s32 v3, v4;
	v5 =	vmul.f32 $8.000000000e+00, v5  }
0x22: {  	v6 =	vmul.f32 $8.000000000e+00, v6  }
0x23: {  	v7 =	vmul.f32 $8.000000000e+00, v7;
	[tilespmem:v8+s14+$0x0] =	vst.idx.msk $0xffff, v5  }
0x24: {  	v5 =	vmul.f32 $8.000000000e+00, v9;
	[tilespmem:v10+s14+$0x0] =	vst.idx.msk $0xffff, v6  }
0x25: {  	[tilespmem:v11+s14+$0x0] =	vst.idx.msk $0xffff, v7  }
0x26: {  	s31 =	simm.s32 $0x1;
	[tilespmem:v4+s14+$0x0] =	vst.idx.msk $0xffff, v5  }
0x27: {  	v4 =	vmov s31;
	v5 =	vld [tilespmem:s22+$0x0]  }
0x28: {  	v6 =	vld [tilespmem:s22+$0x10];
	v4 =	vand.u32 $0x7F, v4  }
0x29: {  	v7 =	vld [tilespmem:s22+$0x20];
	v61 =	vadd.s32 v0, v4  }
0x2a: {  	v62 =	vadd.s32 v1, v4  }
0x2b: {  	v10 =	vld [tilespmem:s22+$0x30];
	v63 =	vadd.s32 v2, v4  }
0x2c: {  	v5 =	vmul.f32 $8.000000000e+00, v5  }
0x2d: {  	v4 =	vadd.s32 v3, v4;
	v6 =	vmul.f32 $8.000000000e+00, v6  }
0x2e: {  	v7 =	vmul.f32 $8.000000000e+00, v7;
	[tilespmem:v61+s14+$0x0] =	vst.idx.msk $0xffff, v5  }
0x2f: {  	[tilespmem:v62+s14+$0x0] =	vst.idx.msk $0xffff, v6  }
0x30: {  	s0 =	simm.s32 $0x2;
	v5 =	vmul.f32 $8.000000000e+00, v10;
	[tilespmem:v63+s14+$0x0] =	vst.idx.msk $0xffff, v7  }
.LBB2_3:
0x31: {  	p0 =	slt.u32 s0, $0x7E  }
0x32: {  	[tilespmem:v4+s14+$0x0] =	vst.idx.msk $0xffff, v5;
	s22 =	sadd.s32 $0x80, s22;
	s1 =	smov.u32 s0;
	s0 =	sadd.s32 $0x2, s0  }
0x33: {  	v4 =	vmov s1;
	v5 =	vld [tilespmem:s22+$0xFFFFFFC0]  }
0x34: {  	v6 =	vld [tilespmem:s22+$0xFFFFFFD0];
	v4 =	vand.u32 $0x7E, v4  }
0x35: {  	v7 =	vld [tilespmem:s22+$0xFFFFFFE0];
	v8 =	vadd.s32 v0, v4  }
0x36: {  	v10 =	vadd.s32 v1, v4;
	v9 =	vld [tilespmem:s22+$0xFFFFFFF0]  }
0x37: {  	v11 =	vadd.s32 v2, v4  }
0x38: {  	v4 =	vadd.s32 v3, v4;
	v5 =	vmul.f32 $8.000000000e+00, v5  }
0x39: {  	v6 =	vmul.f32 $8.000000000e+00, v6  }
0x3a: {  	v7 =	vmul.f32 $8.000000000e+00, v7;
	[tilespmem:v8+s14+$0x0] =	vst.idx.msk $0xffff, v5  }
0x3b: {  	v5 =	vmul.f32 $8.000000000e+00, v9;
	[tilespmem:v10+s14+$0x0] =	vst.idx.msk $0xffff, v6  }
0x3c: {  	[tilespmem:v11+s14+$0x0] =	vst.idx.msk $0xffff, v7  }
0x3d: {  	s1 =	sadd.s32 $0x1, s1;
	[tilespmem:v4+s14+$0x0] =	vst.idx.msk $0xffff, v5  }
0x3e: {  	v4 =	vmov s1;
	v5 =	vld [tilespmem:s22+$0x0]  }
0x3f: {  	v4 =	vand.u32 $0x7F, v4;
	v6 =	vld [tilespmem:s22+$0x10]  }
0x40: {  	v8 =	vadd.s32 v0, v4;
	v7 =	vld [tilespmem:s22+$0x20]  }
0x41: {  	v10 =	vadd.s32 v1, v4;
	v9 =	vld [tilespmem:s22+$0x30]  }
0x42: {  	v11 =	vadd.s32 v2, v4  }
.Ltmp0:
0x43: {  	v4 =	vadd.s32 v3, v4;
	v5 =	vmul.f32 $8.000000000e+00, v5;
	(pc) =	sbr.rel @p0 .LBB2_3-.Ltmp0, $4  }
0x44: {  	v6 =	vmul.f32 $8.000000000e+00, v6  }
0x45: {  	v7 =	vmul.f32 $8.000000000e+00, v7;
	[tilespmem:v8+s14+$0x0] =	vst.idx.msk $0xffff, v5  }
0x46: {  	v5 =	vmul.f32 $8.000000000e+00, v9;
	[tilespmem:v10+s14+$0x0] =	vst.idx.msk $0xffff, v6  }
0x47: {  	[tilespmem:v11+s14+$0x0] =	vst.idx.msk $0xffff, v7  }
0x48: {  	_ = 	snop  }
0x49: {  	s0 =	sshll.u32 s20, $0x13  }
0x4a: {  	s0 =	sor.u32 s6, s0  }
0x4b: {  	s0 =	sshrl.u32 s0, $0x3  }
0x4c: {  	[tilespmem:v4+s14+$0x0] =	vst.idx.msk $0xffff, v5;
	s23 =	simm.s32 $0x0;
	s24 =	simm.s32 $0xA400;
	s22 =	sadd.s32 s2, s0  }
0x4d: {  	[hbm4b:s22+s23] =	stream.linear.scatter [tilespmem:s24], [sflag:$0x3], $0x80, $0x38;
	[tilespmem:$0xE800] =	vst v63  }
0x4e: {  	s25 =	simm.s32 $0xA488;
	s26 =	sadd.s32 $0x10, s22  }
0x4f: {  	[hbm4b:s26+s23] =	stream.linear.scatter [tilespmem:s25], [sflag:$0x3], $0x80, $0x38;
	[tilespmem:$0xE800] =	vst v63  }
0x50: {  	s28 =	simm.s32 $0xA510;
	s30 =	simm.s32 $0xA598;
	s29 =	sadd.s32 $0x20, s22  }
0x51: {  	[hbm4b:s29+s23] =	stream.linear.scatter [tilespmem:s28], [sflag:$0x3], $0x80, $0x38;
	[tilespmem:$0xE800] =	vst v63  }
0x52: {  	s9 =	simm.s32 $0xA6A8;
	s5 =	simm.s32 $0xA730;
	s31 =	sadd.s32 $0x30, s22  }
0x53: {  	[hbm4b:s31+s23] =	stream.linear.scatter [tilespmem:s30], [sflag:$0x3], $0x80, $0x38;
	[tilespmem:$0xE800] =	vst v63  }
0x54: {  	s10 =	simm.s32 $0x440;
	s0 =	simm.s32 $0xA620;
	s1 =	sadd.s32 $0x40, s22  }
0x55: {  	[hbm4b:s1+s23] =	stream.linear.scatter [tilespmem:s0], [sflag:$0x3], $0x80, $0x38;
	[tilespmem:$0xE800] =	vst v63  }
0x56: {  	s18 =	simm.s32 $0x2200;
	s19 =	simm.s32 $0xA7B8;
	s11 =	sadd.s32 $0x50, s22  }
0x57: {  	[hbm4b:s11+s23] =	stream.linear.scatter [tilespmem:s9], [sflag:$0x3], $0x80, $0x38;
	[tilespmem:$0xE800] =	vst v63  }
0x58: {  	s7 =	sadd.s32 $0x60, s22;
	s12 =	sadd.s32 $0x70, s22;
	s17 =	sadd.s32 $0x1000, s22  }
0x59: {  	[hbm4b:s7+s23] =	stream.linear.scatter [tilespmem:s5], [sflag:$0x3], $0x80, $0x38;
	[tilespmem:$0xE800] =	vst v63  }
.LBB2_5:
0x5a: {  	[hbm4b:s12+s23] =	stream.linear.scatter [tilespmem:s19], [sflag:$0x3], $0x80, $0x38;
	[tilespmem:$0xE800] =	vst v63  }
0x5b: {  	s12 =	smov.u32 s10;
	s10 =	smov.u32 s18  }
0x5c: {  	s8 =	sadd.s32 $0x1100, s18;
	s10 =	sshra.s32 s10, $0x2;
	s19 =	sadd.s32 $0xA400, s12  }
0x5d: {  	[hbm4b:s17+s23] =	stream.linear.scatter [tilespmem:s19], [sflag:$0x3], $0x80, $0x38;
	[tilespmem:$0xE800] =	vst v63  }
0x5e: {  	p0 =	sne.s32 s18, $0x7700;
	s18 =	sadd.s32 $0xA488, s12;
	s19 =	sadd.s32 $0x10, s17  }
0x5f: {  	[hbm4b:s19+s23] =	stream.linear.scatter [tilespmem:s18], [sflag:$0x3], $0x80, $0x38;
	[tilespmem:$0xE800] =	vst v63  }
0x60: {  	s18 =	sadd.s32 $0xA510, s12;
	s19 =	sadd.s32 $0x20, s17  }
0x61: {  	[hbm4b:s19+s23] =	stream.linear.scatter [tilespmem:s18], [sflag:$0x3], $0x80, $0x38;
	[tilespmem:$0xE800] =	vst v63  }
0x62: {  	s18 =	sadd.s32 $0xA598, s12;
	s19 =	sadd.s32 $0x30, s17  }
0x63: {  	[hbm4b:s19+s23] =	stream.linear.scatter [tilespmem:s18], [sflag:$0x3], $0x80, $0x38;
	[tilespmem:$0xE800] =	vst v63  }
0x64: {  	s18 =	sadd.s32 $0xA620, s12;
	s19 =	sadd.s32 $0x40, s17  }
0x65: {  	[hbm4b:s19+s23] =	stream.linear.scatter [tilespmem:s18], [sflag:$0x3], $0x80, $0x38;
	[tilespmem:$0xE800] =	vst v63  }
0x66: {  	s18 =	sadd.s32 $0xA6A8, s12;
	s19 =	sadd.s32 $0x50, s17  }
0x67: {  	[hbm4b:s19+s23] =	stream.linear.scatter [tilespmem:s18], [sflag:$0x3], $0x80, $0x38;
	[tilespmem:$0xE800] =	vst v63  }
.Ltmp1:
0x68: {  	_ = 	snop;
	(pc) =	sbr.rel @p0 .LBB2_5-.Ltmp1, $4  }
0x69: {  	s18 =	sadd.s32 $0xA730, s12;
	s19 =	sadd.s32 $0x60, s17  }
0x6a: {  	[hbm4b:s19+s23] =	stream.linear.scatter [tilespmem:s18], [sflag:$0x3], $0x80, $0x38;
	[tilespmem:$0xE800] =	vst v63  }
0x6b: {  	s19 =	sadd.s32 $0xA7B8, s12  }
0x6c: {  	s12 =	sadd.s32 $0x70, s17;
	s17 =	sadd.s32 $0x1000, s17;
	s18 =	smov.u32 s8  }
0x6d: {  	[hbm4b:s12+s23] =	stream.linear.scatter [tilespmem:s19], [sflag:$0x3], $0x80, $0x38;
	[tilespmem:$0xE800] =	vst v63  }
0x6e: {  	s8 =	sadd.s32 $0xA400, s10  }
0x6f: {  	[hbm4b:s17+s23] =	stream.linear.scatter [tilespmem:s8], [sflag:$0x3], $0x80, $0x38;
	[tilespmem:$0xE800] =	vst v63  }
0x70: {  	s18 =	sadd.s32 $0xA488, s10;
	s19 =	sadd.s32 $0x10, s17  }
0x71: {  	[hbm4b:s19+s23] =	stream.linear.scatter [tilespmem:s18], [sflag:$0x3], $0x80, $0x38;
	[tilespmem:$0xE800] =	vst v63  }
0x72: {  	s18 =	sadd.s32 $0xA510, s10;
	s19 =	sadd.s32 $0x20, s17  }
0x73: {  	[hbm4b:s19+s23] =	stream.linear.scatter [tilespmem:s18], [sflag:$0x3], $0x80, $0x38;
	[tilespmem:$0xE800] =	vst v63  }
0x74: {  	s18 =	sadd.s32 $0xA598, s10;
	s19 =	sadd.s32 $0x30, s17  }
0x75: {  	[hbm4b:s19+s23] =	stream.linear.scatter [tilespmem:s18], [sflag:$0x3], $0x80, $0x38;
	[tilespmem:$0xE800] =	vst v63  }
0x76: {  	s18 =	sadd.s32 $0xA620, s10;
	s19 =	sadd.s32 $0x40, s17  }
0x77: {  	[hbm4b:s19+s23] =	stream.linear.scatter [tilespmem:s18], [sflag:$0x3], $0x80, $0x38;
	[tilespmem:$0xE800] =	vst v63  }
0x78: {  	s18 =	sadd.s32 $0xA6A8, s10;
	s19 =	sadd.s32 $0x50, s17  }
0x79: {  	[hbm4b:s19+s23] =	stream.linear.scatter [tilespmem:s18], [sflag:$0x3], $0x80, $0x38;
	[tilespmem:$0xE800] =	vst v63  }
0x7a: {  	s18 =	sadd.s32 $0xA730, s10;
	s19 =	sadd.s32 $0x60, s17  }
0x7b: {  	[hbm4b:s19+s23] =	stream.linear.scatter [tilespmem:s18], [sflag:$0x3], $0x80, $0x38;
	[tilespmem:$0xE800] =	vst v63  }
0x7c: {  	s18 =	sadd.s32 $0xA7B8, s10;
	s19 =	sadd.s32 $0x70, s17  }
0x7d: {  	[hbm4b:s19+s23] =	stream.linear.scatter [tilespmem:s18], [sflag:$0x3], $0x80, $0x38;
	[tilespmem:$0xE800] =	vst v63  }
0x7e: {  	_ = 	snop  }
0x7f: {  	[hbm4b:s22+s3] =	stream.linear.scatter [tilespmem:s24], [sflag:$0x3], $0x80, $0x38;
	[tilespmem:$0xE800] =	vst v63  }
0x80: {  	_ = 	snop  }
0x81: {  	[hbm4b:s26+s3] =	stream.linear.scatter [tilespmem:s25], [sflag:$0x3], $0x80, $0x38;
	[tilespmem:$0xE800] =	vst v63  }
0x82: {  	_ = 	snop  }
0x83: {  	[hbm4b:s29+s3] =	stream.linear.scatter [tilespmem:s28], [sflag:$0x3], $0x80, $0x38;
	[tilespmem:$0xE800] =	vst v63  }
0x84: {  	_ = 	snop  }
0x85: {  	[hbm4b:s31+s3] =	stream.linear.scatter [tilespmem:s30], [sflag:$0x3], $0x80, $0x38;
	[tilespmem:$0xE800] =	vst v63  }
0x86: {  	_ = 	snop  }
0x87: {  	[hbm4b:s1+s3] =	stream.linear.scatter [tilespmem:s0], [sflag:$0x3], $0x80, $0x38;
	[tilespmem:$0xE800] =	vst v63  }
0x88: {  	_ = 	snop  }
0x89: {  	[hbm4b:s11+s3] =	stream.linear.scatter [tilespmem:s9], [sflag:$0x3], $0x80, $0x38;
	[tilespmem:$0xE800] =	vst v63  }
0x8a: {  	s0 =	simm.s32 $0x440;
	s1 =	sadd.s32 $0x1000, s22  }
0x8b: {  	[hbm4b:s7+s3] =	stream.linear.scatter [tilespmem:s5], [sflag:$0x3], $0x80, $0x38;
	[tilespmem:$0xE800] =	vst v63  }
0x8c: {  	s9 =	sadd.s32 $0x70, s22;
	s5 =	simm.s32 $0x2200;
	s7 =	simm.s32 $0xA7B8  }
.LBB2_7:
0x8d: {  	[hbm4b:s9+s3] =	stream.linear.scatter [tilespmem:s7], [sflag:$0x3], $0x80, $0x38;
	[tilespmem:$0xE800] =	vst v63  }
0x8e: {  	s7 =	smov.u32 s0;
	s0 =	smov.u32 s5  }
0x8f: {  	s8 =	sadd.s32 $0x1100, s5;
	s0 =	sshra.s32 s0, $0x2;
	s9 =	sadd.s32 $0xA400, s7  }
0x90: {  	[hbm4b:s1+s3] =	stream.linear.scatter [tilespmem:s9], [sflag:$0x3], $0x80, $0x38;
	[tilespmem:$0xE800] =	vst v63  }
0x91: {  	p0 =	sne.s32 s5, $0x7700;
	s5 =	sadd.s32 $0xA488, s7;
	s9 =	sadd.s32 $0x10, s1  }
0x92: {  	[hbm4b:s9+s3] =	stream.linear.scatter [tilespmem:s5], [sflag:$0x3], $0x80, $0x38;
	[tilespmem:$0xE800] =	vst v63  }
0x93: {  	s5 =	sadd.s32 $0xA510, s7;
	s9 =	sadd.s32 $0x20, s1  }
0x94: {  	[hbm4b:s9+s3] =	stream.linear.scatter [tilespmem:s5], [sflag:$0x3], $0x80, $0x38;
	[tilespmem:$0xE800] =	vst v63  }
0x95: {  	s5 =	sadd.s32 $0xA598, s7;
	s9 =	sadd.s32 $0x30, s1  }
0x96: {  	[hbm4b:s9+s3] =	stream.linear.scatter [tilespmem:s5], [sflag:$0x3], $0x80, $0x38;
	[tilespmem:$0xE800] =	vst v63  }
0x97: {  	s5 =	sadd.s32 $0xA620, s7;
	s9 =	sadd.s32 $0x40, s1  }
0x98: {  	[hbm4b:s9+s3] =	stream.linear.scatter [tilespmem:s5], [sflag:$0x3], $0x80, $0x38;
	[tilespmem:$0xE800] =	vst v63  }
.Ltmp2:
0x99: {  	s5 =	sadd.s32 $0xA6A8, s7;
	s9 =	sadd.s32 $0x50, s1;
	(pc) =	sbr.rel @p0 .LBB2_7-.Ltmp2, $4  }
0x9a: {  	[hbm4b:s9+s3] =	stream.linear.scatter [tilespmem:s5], [sflag:$0x3], $0x80, $0x38;
	[tilespmem:$0xE800] =	vst v63  }
0x9b: {  	s5 =	sadd.s32 $0xA730, s7;
	s9 =	sadd.s32 $0x60, s1;
	s7 =	sadd.s32 $0xA7B8, s7  }
0x9c: {  	[hbm4b:s9+s3] =	stream.linear.scatter [tilespmem:s5], [sflag:$0x3], $0x80, $0x38;
	[tilespmem:$0xE800] =	vst v63  }
0x9d: {  	s9 =	sadd.s32 $0x70, s1;
	s1 =	sadd.s32 $0x1000, s1;
	s5 =	smov.u32 s8  }
0x9e: {  	[hbm4b:s9+s3] =	stream.linear.scatter [tilespmem:s7], [sflag:$0x3], $0x80, $0x38;
	[tilespmem:$0xE800] =	vst v63  }
0x9f: {  	s5 =	sadd.s32 $0xA400, s0  }
0xa0: {  	[hbm4b:s1+s3] =	stream.linear.scatter [tilespmem:s5], [sflag:$0x3], $0x80, $0x38;
	[tilespmem:$0xE800] =	vst v63  }
0xa1: {  	s9 =	sadd.s32 $0xA488, s0;
	s10 =	sadd.s32 $0x10, s1  }
0xa2: {  	[hbm4b:s10+s3] =	stream.linear.scatter [tilespmem:s9], [sflag:$0x3], $0x80, $0x38;
	[tilespmem:$0xE800] =	vst v63  }
0xa3: {  	s11 =	sadd.s32 $0xA510, s0;
	s12 =	sadd.s32 $0x20, s1  }
0xa4: {  	[hbm4b:s12+s3] =	stream.linear.scatter [tilespmem:s11], [sflag:$0x3], $0x80, $0x38;
	[tilespmem:$0xE800] =	vst v63  }
0xa5: {  	s17 =	sadd.s32 $0xA598, s0;
	s18 =	sadd.s32 $0x30, s1  }
0xa6: {  	[hbm4b:s18+s3] =	stream.linear.scatter [tilespmem:s17], [sflag:$0x3], $0x80, $0x38;
	[tilespmem:$0xE800] =	vst v63  }
0xa7: {  	s19 =	sadd.s32 $0xA620, s0;
	s22 =	sadd.s32 $0x40, s1  }
0xa8: {  	[hbm4b:s22+s3] =	stream.linear.scatter [tilespmem:s19], [sflag:$0x3], $0x80, $0x38;
	[tilespmem:$0xE800] =	vst v63  }
0xa9: {  	s23 =	sadd.s32 $0xA6A8, s0;
	s24 =	sadd.s32 $0x50, s1  }
0xaa: {  	[hbm4b:s24+s3] =	stream.linear.scatter [tilespmem:s23], [sflag:$0x3], $0x80, $0x38;
	[tilespmem:$0xE800] =	vst v63  }
0xab: {  	s25 =	sadd.s32 $0xA730, s0;
	s26 =	sadd.s32 $0x60, s1  }
0xac: {  	[hbm4b:s26+s3] =	stream.linear.scatter [tilespmem:s25], [sflag:$0x3], $0x80, $0x38;
	[tilespmem:$0xE800] =	vst v63  }
0xad: {  	s28 =	sadd.s32 $0xA7B8, s0;
	s29 =	sadd.s32 $0x70, s1  }
0xae: {  	[hbm4b:s29+s3] =	stream.linear.scatter [tilespmem:s28], [sflag:$0x3], $0x80, $0x38;
	[tilespmem:$0xE800] =	vst v63  }
0xaf: {  	_ =	swait.ge [sflag:s15], $0x2000  }
0xb0: {  	p0 =	seq.s32 s20, $0x63;
	[sflag:s15] =	ssyncset.done $0x0  }
0xb1: {  	s0 =	simm.s32 @!p0 $0x3;
	[sflag:s15] =	ssyncadd.s32 $0xFFFFE000  }
0xb2: {  	_ =	swait.ge @!p0 [sflag:s0], $0x2000  }
0xb3: {  	s30 =	simm.s32 $0x0;
	s1 =	sshll.u32 @!p0 s20, $0x8;
	[sflag:s0] =	ssyncset.done @!p0 $0x0  }
0xb4: {  	s5 =	simm.s32 @!p0 $0x6400;
	[sflag:s0] =	ssyncadd.s32 @!p0 $0xFFFFE000;
	s0 =	sand.u32 @!p0 $0x3FFFFF00, s1  }
0xb5: {  	s22 =	simm.s32 $0x8440;
	s1 =	simm.s32 @!p0 $0x80;
	s0 =	sadd.s32 @!p0 $0x100, s0  }
0xb6: {  	[tilespmem:s5], [sflag:$0x1] =	stream.indirect.gather @!p0 [hbm4b:s4+s1], $0x40, s0, s1, $0xb8;
	[tilespmem:$0xE800] =	vst v63  }
0xb7: {  	v4 =	vmov s30;
	v5 =	vld [tilespmem:s22+$0xFFFFFFC0]  }
0xb8: {  	v4 =	vand.u32 $0x7E, v4;
	v6 =	vld [tilespmem:s22+$0xFFFFFFD0]  }
0xb9: {  	v8 =	vadd.s32 v0, v4;
	v7 =	vld [tilespmem:s22+$0xFFFFFFE0]  }
0xba: {  	v10 =	vadd.s32 v1, v4;
	v9 =	vld [tilespmem:s22+$0xFFFFFFF0]  }
0xbb: {  	v11 =	vadd.s32 v2, v4  }
0xbc: {  	v4 =	vadd.s32 v3, v4;
	v5 =	vmul.f32 $8.000000000e+00, v5  }
0xbd: {  	v6 =	vmul.f32 $8.000000000e+00, v6  }
0xbe: {  	v7 =	vmul.f32 $8.000000000e+00, v7;
	[tilespmem:v8+s16+$0x0] =	vst.idx.msk $0xffff, v5  }
0xbf: {  	v5 =	vmul.f32 $8.000000000e+00, v9;
	[tilespmem:v10+s16+$0x0] =	vst.idx.msk $0xffff, v6  }
0xc0: {  	[tilespmem:v11+s16+$0x0] =	vst.idx.msk $0xffff, v7  }
0xc1: {  	s31 =	simm.s32 $0x1;
	[tilespmem:v4+s16+$0x0] =	vst.idx.msk $0xffff, v5  }
0xc2: {  	v4 =	vmov s31;
	v5 =	vld [tilespmem:s22+$0x0]  }
0xc3: {  	v6 =	vld [tilespmem:s22+$0x10];
	v4 =	vand.u32 $0x7F, v4  }
0xc4: {  	v7 =	vld [tilespmem:s22+$0x20];
	v61 =	vadd.s32 v0, v4  }
0xc5: {  	v62 =	vadd.s32 v1, v4  }
0xc6: {  	v10 =	vld [tilespmem:s22+$0x30];
	v63 =	vadd.s32 v2, v4  }
0xc7: {  	v5 =	vmul.f32 $8.000000000e+00, v5  }
0xc8: {  	v4 =	vadd.s32 v3, v4;
	v6 =	vmul.f32 $8.000000000e+00, v6  }
0xc9: {  	v7 =	vmul.f32 $8.000000000e+00, v7;
	[tilespmem:v61+s16+$0x0] =	vst.idx.msk $0xffff, v5  }
0xca: {  	[tilespmem:v62+s16+$0x0] =	vst.idx.msk $0xffff, v6  }
0xcb: {  	s0 =	simm.s32 $0x2;
	v5 =	vmul.f32 $8.000000000e+00, v10;
	[tilespmem:v63+s16+$0x0] =	vst.idx.msk $0xffff, v7  }
.LBB2_9:
0xcc: {  	p0 =	slt.u32 s0, $0x7E  }
0xcd: {  	[tilespmem:v4+s16+$0x0] =	vst.idx.msk $0xffff, v5;
	s22 =	sadd.s32 $0x80, s22;
	s1 =	smov.u32 s0;
	s0 =	sadd.s32 $0x2, s0  }
0xce: {  	v4 =	vmov s1;
	v5 =	vld [tilespmem:s22+$0xFFFFFFC0]  }
0xcf: {  	v6 =	vld [tilespmem:s22+$0xFFFFFFD0];
	v4 =	vand.u32 $0x7E, v4  }
0xd0: {  	v7 =	vld [tilespmem:s22+$0xFFFFFFE0];
	v8 =	vadd.s32 v0, v4  }
0xd1: {  	v10 =	vadd.s32 v1, v4;
	v9 =	vld [tilespmem:s22+$0xFFFFFFF0]  }
0xd2: {  	v11 =	vadd.s32 v2, v4  }
0xd3: {  	v4 =	vadd.s32 v3, v4;
	v5 =	vmul.f32 $8.000000000e+00, v5  }
0xd4: {  	v6 =	vmul.f32 $8.000000000e+00, v6  }
0xd5: {  	v7 =	vmul.f32 $8.000000000e+00, v7;
	[tilespmem:v8+s16+$0x0] =	vst.idx.msk $0xffff, v5  }
0xd6: {  	v5 =	vmul.f32 $8.000000000e+00, v9;
	[tilespmem:v10+s16+$0x0] =	vst.idx.msk $0xffff, v6  }
0xd7: {  	[tilespmem:v11+s16+$0x0] =	vst.idx.msk $0xffff, v7  }
0xd8: {  	s1 =	sadd.s32 $0x1, s1;
	[tilespmem:v4+s16+$0x0] =	vst.idx.msk $0xffff, v5  }
0xd9: {  	v4 =	vmov s1;
	v5 =	vld [tilespmem:s22+$0x0]  }
0xda: {  	v4 =	vand.u32 $0x7F, v4;
	v6 =	vld [tilespmem:s22+$0x10]  }
0xdb: {  	v8 =	vadd.s32 v0, v4;
	v7 =	vld [tilespmem:s22+$0x20]  }
0xdc: {  	v10 =	vadd.s32 v1, v4;
	v9 =	vld [tilespmem:s22+$0x30]  }
0xdd: {  	v11 =	vadd.s32 v2, v4  }
.Ltmp3:
0xde: {  	v4 =	vadd.s32 v3, v4;
	v5 =	vmul.f32 $8.000000000e+00, v5;
	(pc) =	sbr.rel @p0 .LBB2_9-.Ltmp3, $4  }
0xdf: {  	v6 =	vmul.f32 $8.000000000e+00, v6  }
0xe0: {  	v7 =	vmul.f32 $8.000000000e+00, v7;
	[tilespmem:v8+s16+$0x0] =	vst.idx.msk $0xffff, v5  }
0xe1: {  	v5 =	vmul.f32 $8.000000000e+00, v9;
	[tilespmem:v10+s16+$0x0] =	vst.idx.msk $0xffff, v6  }
0xe2: {  	[tilespmem:v11+s16+$0x0] =	vst.idx.msk $0xffff, v7  }
0xe3: {  	_ = 	snop  }
0xe4: {  	s0 =	sshll.u32 s21, $0x12  }
0xe5: {  	s0 =	sor.u32 s6, s0  }
0xe6: {  	s0 =	sshrl.u32 s0, $0x3  }
0xe7: {  	[tilespmem:v4+s16+$0x0] =	vst.idx.msk $0xffff, v5;
	s22 =	simm.s32 $0x0;
	s23 =	simm.s32 $0xC600;
	s21 =	sadd.s32 s2, s0  }
0xe8: {  	[hbm4b:s21+s22] =	stream.linear.scatter [tilespmem:s23], [sflag:$0x4], $0x80, $0x38;
	[tilespmem:$0xE800] =	vst v63  }
0xe9: {  	s24 =	simm.s32 $0xC688;
	s25 =	sadd.s32 $0x10, s21  }
0xea: {  	[hbm4b:s25+s22] =	stream.linear.scatter [tilespmem:s24], [sflag:$0x4], $0x80, $0x38;
	[tilespmem:$0xE800] =	vst v63  }
0xeb: {  	s26 =	simm.s32 $0xC710;
	s29 =	simm.s32 $0xC798;
	s28 =	sadd.s32 $0x20, s21  }
0xec: {  	[hbm4b:s28+s22] =	stream.linear.scatter [tilespmem:s26], [sflag:$0x4], $0x80, $0x38;
	[tilespmem:$0xE800] =	vst v63  }
0xed: {  	s9 =	simm.s32 $0xC8A8;
	s5 =	simm.s32 $0xC930;
	s30 =	sadd.s32 $0x30, s21  }
0xee: {  	[hbm4b:s30+s22] =	stream.linear.scatter [tilespmem:s29], [sflag:$0x4], $0x80, $0x38;
	[tilespmem:$0xE800] =	vst v63  }
0xef: {  	s10 =	simm.s32 $0x440;
	s0 =	simm.s32 $0xC820;
	s1 =	sadd.s32 $0x40, s21  }
0xf0: {  	[hbm4b:s1+s22] =	stream.linear.scatter [tilespmem:s0], [sflag:$0x4], $0x80, $0x38;
	[tilespmem:$0xE800] =	vst v63  }
0xf1: {  	s18 =	simm.s32 $0x2200;
	s19 =	simm.s32 $0xC9B8;
	s11 =	sadd.s32 $0x50, s21  }
0xf2: {  	[hbm4b:s11+s22] =	stream.linear.scatter [tilespmem:s9], [sflag:$0x4], $0x80, $0x38;
	[tilespmem:$0xE800] =	vst v63  }
0xf3: {  	s7 =	sadd.s32 $0x60, s21;
	s12 =	sadd.s32 $0x70, s21;
	s17 =	sadd.s32 $0x1000, s21  }
0xf4: {  	[hbm4b:s7+s22] =	stream.linear.scatter [tilespmem:s5], [sflag:$0x4], $0x80, $0x38;
	[tilespmem:$0xE800] =	vst v63  }
.LBB2_11:
0xf5: {  	[hbm4b:s12+s22] =	stream.linear.scatter [tilespmem:s19], [sflag:$0x4], $0x80, $0x38;
	[tilespmem:$0xE800] =	vst v63  }
0xf6: {  	s8 =	smov.u32 s10;
	s10 =	smov.u32 s18  }
0xf7: {  	s31 =	sadd.s32 $0x1100, s18;
	s10 =	sshra.s32 s10, $0x2;
	s12 =	sadd.s32 $0xC600, s8  }
0xf8: {  	[hbm4b:s17+s22] =	stream.linear.scatter [tilespmem:s12], [sflag:$0x4], $0x80, $0x38;
	[tilespmem:$0xE800] =	vst v63  }
0xf9: {  	p0 =	sne.s32 s18, $0x7700;
	s18 =	sadd.s32 $0x10, s17;
	s12 =	sadd.s32 $0xC688, s8  }
0xfa: {  	[hbm4b:s18+s22] =	stream.linear.scatter [tilespmem:s12], [sflag:$0x4], $0x80, $0x38;
	[tilespmem:$0xE800] =	vst v63  }
0xfb: {  	s12 =	sadd.s32 $0xC710, s8;
	s18 =	sadd.s32 $0x20, s17  }
0xfc: {  	[hbm4b:s18+s22] =	stream.linear.scatter [tilespmem:s12], [sflag:$0x4], $0x80, $0x38;
	[tilespmem:$0xE800] =	vst v63  }
0xfd: {  	s12 =	sadd.s32 $0xC798, s8;
	s18 =	sadd.s32 $0x30, s17  }
0xfe: {  	[hbm4b:s18+s22] =	stream.linear.scatter [tilespmem:s12], [sflag:$0x4], $0x80, $0x38;
	[tilespmem:$0xE800] =	vst v63  }
0xff: {  	s12 =	sadd.s32 $0xC820, s8;
	s18 =	sadd.s32 $0x40, s17  }
0x100: {  	[hbm4b:s18+s22] =	stream.linear.scatter [tilespmem:s12], [sflag:$0x4], $0x80, $0x38;
	[tilespmem:$0xE800] =	vst v63  }
.Ltmp4:
0x101: {  	s12 =	sadd.s32 $0xC8A8, s8;
	s18 =	sadd.s32 $0x50, s17;
	(pc) =	sbr.rel @p0 .LBB2_11-.Ltmp4, $4  }
0x102: {  	[hbm4b:s18+s22] =	stream.linear.scatter [tilespmem:s12], [sflag:$0x4], $0x80, $0x38;
	[tilespmem:$0xE800] =	vst v63  }
0x103: {  	s19 =	sadd.s32 $0xC9B8, s8;
	s12 =	sadd.s32 $0xC930, s8;
	s18 =	sadd.s32 $0x60, s17  }
0x104: {  	[hbm4b:s18+s22] =	stream.linear.scatter [tilespmem:s12], [sflag:$0x4], $0x80, $0x38;
	[tilespmem:$0xE800] =	vst v63  }
0x105: {  	s12 =	sadd.s32 $0x70, s17;
	s17 =	sadd.s32 $0x1000, s17;
	s18 =	smov.u32 s31  }
0x106: {  	[hbm4b:s12+s22] =	stream.linear.scatter [tilespmem:s19], [sflag:$0x4], $0x80, $0x38;
	[tilespmem:$0xE800] =	vst v63  }
0x107: {  	s8 =	sadd.s32 $0xC600, s10  }
0x108: {  	[hbm4b:s17+s22] =	stream.linear.scatter [tilespmem:s8], [sflag:$0x4], $0x80, $0x38;
	[tilespmem:$0xE800] =	vst v63  }
0x109: {  	s19 =	sadd.s32 $0xC688, s10;
	s31 =	sadd.s32 $0x10, s17  }
0x10a: {  	[hbm4b:s31+s22] =	stream.linear.scatter [tilespmem:s19], [sflag:$0x4], $0x80, $0x38;
	[tilespmem:$0xE800] =	vst v63  }
0x10b: {  	s12 =	sadd.s32 $0xC710, s10;
	s18 =	sadd.s32 $0x20, s17  }
0x10c: {  	[hbm4b:s18+s22] =	stream.linear.scatter [tilespmem:s12], [sflag:$0x4], $0x80, $0x38;
	[tilespmem:$0xE800] =	vst v63  }
0x10d: {  	s19 =	sadd.s32 $0xC798, s10;
	s31 =	sadd.s32 $0x30, s17  }
0x10e: {  	[hbm4b:s31+s22] =	stream.linear.scatter [tilespmem:s19], [sflag:$0x4], $0x80, $0x38;
	[tilespmem:$0xE800] =	vst v63  }
0x10f: {  	s12 =	sadd.s32 $0xC820, s10;
	s18 =	sadd.s32 $0x40, s17  }
0x110: {  	[hbm4b:s18+s22] =	stream.linear.scatter [tilespmem:s12], [sflag:$0x4], $0x80, $0x38;
	[tilespmem:$0xE800] =	vst v63  }
0x111: {  	s19 =	sadd.s32 $0xC8A8, s10;
	s31 =	sadd.s32 $0x50, s17  }
0x112: {  	[hbm4b:s31+s22] =	stream.linear.scatter [tilespmem:s19], [sflag:$0x4], $0x80, $0x38;
	[tilespmem:$0xE800] =	vst v63  }
0x113: {  	s12 =	sadd.s32 $0xC930, s10;
	s18 =	sadd.s32 $0x60, s17  }
0x114: {  	[hbm4b:s18+s22] =	stream.linear.scatter [tilespmem:s12], [sflag:$0x4], $0x80, $0x38;
	[tilespmem:$0xE800] =	vst v63  }
0x115: {  	s19 =	sadd.s32 $0xC9B8, s10;
	s31 =	sadd.s32 $0x70, s17  }
0x116: {  	[hbm4b:s31+s22] =	stream.linear.scatter [tilespmem:s19], [sflag:$0x4], $0x80, $0x38;
	[tilespmem:$0xE800] =	vst v63  }
0x117: {  	_ = 	snop  }
0x118: {  	[hbm4b:s21+s3] =	stream.linear.scatter [tilespmem:s23], [sflag:$0x4], $0x80, $0x38;
	[tilespmem:$0xE800] =	vst v63  }
0x119: {  	_ = 	snop  }
0x11a: {  	[hbm4b:s25+s3] =	stream.linear.scatter [tilespmem:s24], [sflag:$0x4], $0x80, $0x38;
	[tilespmem:$0xE800] =	vst v63  }
0x11b: {  	_ = 	snop  }
0x11c: {  	[hbm4b:s28+s3] =	stream.linear.scatter [tilespmem:s26], [sflag:$0x4], $0x80, $0x38;
	[tilespmem:$0xE800] =	vst v63  }
0x11d: {  	_ = 	snop  }
0x11e: {  	[hbm4b:s30+s3] =	stream.linear.scatter [tilespmem:s29], [sflag:$0x4], $0x80, $0x38;
	[tilespmem:$0xE800] =	vst v63  }
0x11f: {  	_ = 	snop  }
0x120: {  	[hbm4b:s1+s3] =	stream.linear.scatter [tilespmem:s0], [sflag:$0x4], $0x80, $0x38;
	[tilespmem:$0xE800] =	vst v63  }
0x121: {  	_ = 	snop  }
0x122: {  	[hbm4b:s11+s3] =	stream.linear.scatter [tilespmem:s9], [sflag:$0x4], $0x80, $0x38;
	[tilespmem:$0xE800] =	vst v63  }
0x123: {  	s0 =	simm.s32 $0x440;
	s1 =	sadd.s32 $0x1000, s21  }
0x124: {  	[hbm4b:s7+s3] =	stream.linear.scatter [tilespmem:s5], [sflag:$0x4], $0x80, $0x38;
	[tilespmem:$0xE800] =	vst v63  }
0x125: {  	s9 =	sadd.s32 $0x70, s21;
	s5 =	simm.s32 $0x2200;
	s7 =	simm.s32 $0xC9B8  }
.LBB2_13:
0x126: {  	[hbm4b:s9+s3] =	stream.linear.scatter [tilespmem:s7], [sflag:$0x4], $0x80, $0x38;
	[tilespmem:$0xE800] =	vst v63  }
0x127: {  	s7 =	smov.u32 s0;
	s0 =	smov.u32 s5  }
0x128: {  	s8 =	sadd.s32 $0x1100, s5;
	s0 =	sshra.s32 s0, $0x2;
	s9 =	sadd.s32 $0xC600, s7  }
0x129: {  	[hbm4b:s1+s3] =	stream.linear.scatter [tilespmem:s9], [sflag:$0x4], $0x80, $0x38;
	[tilespmem:$0xE800] =	vst v63  }
0x12a: {  	p0 =	sne.s32 s5, $0x7700;
	s5 =	sadd.s32 $0xC688, s7;
	s9 =	sadd.s32 $0x10, s1  }
0x12b: {  	[hbm4b:s9+s3] =	stream.linear.scatter [tilespmem:s5], [sflag:$0x4], $0x80, $0x38;
	[tilespmem:$0xE800] =	vst v63  }
0x12c: {  	s5 =	sadd.s32 $0xC710, s7;
	s9 =	sadd.s32 $0x20, s1  }
0x12d: {  	[hbm4b:s9+s3] =	stream.linear.scatter [tilespmem:s5], [sflag:$0x4], $0x80, $0x38;
	[tilespmem:$0xE800] =	vst v63  }
0x12e: {  	s5 =	sadd.s32 $0xC798, s7;
	s9 =	sadd.s32 $0x30, s1  }
0x12f: {  	[hbm4b:s9+s3] =	stream.linear.scatter [tilespmem:s5], [sflag:$0x4], $0x80, $0x38;
	[tilespmem:$0xE800] =	vst v63  }
0x130: {  	s5 =	sadd.s32 $0xC820, s7;
	s9 =	sadd.s32 $0x40, s1  }
0x131: {  	[hbm4b:s9+s3] =	stream.linear.scatter [tilespmem:s5], [sflag:$0x4], $0x80, $0x38;
	[tilespmem:$0xE800] =	vst v63  }
.Ltmp5:
0x132: {  	s5 =	sadd.s32 $0xC8A8, s7;
	s9 =	sadd.s32 $0x50, s1;
	(pc) =	sbr.rel @p0 .LBB2_13-.Ltmp5, $4  }
0x133: {  	[hbm4b:s9+s3] =	stream.linear.scatter [tilespmem:s5], [sflag:$0x4], $0x80, $0x38;
	[tilespmem:$0xE800] =	vst v63  }
0x134: {  	s5 =	sadd.s32 $0xC930, s7;
	s9 =	sadd.s32 $0x60, s1;
	s7 =	sadd.s32 $0xC9B8, s7  }
0x135: {  	[hbm4b:s9+s3] =	stream.linear.scatter [tilespmem:s5], [sflag:$0x4], $0x80, $0x38;
	[tilespmem:$0xE800] =	vst v63  }
0x136: {  	s9 =	sadd.s32 $0x70, s1;
	s1 =	sadd.s32 $0x1000, s1;
	s5 =	smov.u32 s8  }
0x137: {  	[hbm4b:s9+s3] =	stream.linear.scatter [tilespmem:s7], [sflag:$0x4], $0x80, $0x38;
	[tilespmem:$0xE800] =	vst v63  }
0x138: {  	s5 =	sadd.s32 $0xC600, s0  }
0x139: {  	[hbm4b:s1+s3] =	stream.linear.scatter [tilespmem:s5], [sflag:$0x4], $0x80, $0x38;
	[tilespmem:$0xE800] =	vst v63  }
0x13a: {  	s12 =	sadd.s32 $0xC688, s0;
	s17 =	sadd.s32 $0x10, s1  }
0x13b: {  	[hbm4b:s17+s3] =	stream.linear.scatter [tilespmem:s12], [sflag:$0x4], $0x80, $0x38;
	[tilespmem:$0xE800] =	vst v63  }
0x13c: {  	s18 =	sadd.s32 $0xC710, s0;
	s19 =	sadd.s32 $0x20, s1  }
0x13d: {  	[hbm4b:s19+s3] =	stream.linear.scatter [tilespmem:s18], [sflag:$0x4], $0x80, $0x38;
	[tilespmem:$0xE800] =	vst v63  }
0x13e: {  	s21 =	sadd.s32 $0xC798, s0;
	s22 =	sadd.s32 $0x30, s1  }
0x13f: {  	[hbm4b:s22+s3] =	stream.linear.scatter [tilespmem:s21], [sflag:$0x4], $0x80, $0x38;
	[tilespmem:$0xE800] =	vst v63  }
0x140: {  	s23 =	sadd.s32 $0xC820, s0;
	s24 =	sadd.s32 $0x40, s1;
	s20 =	sadd.s32 $0x1, s20  }
0x141: {  	[hbm4b:s24+s3] =	stream.linear.scatter [tilespmem:s23], [sflag:$0x4], $0x80, $0x38;
	[tilespmem:$0xE800] =	vst v63  }
0x142: {  	s25 =	sadd.s32 $0xC8A8, s0;
	s26 =	sadd.s32 $0x50, s1;
	p0 =	sne.s32 s20, $0x64  }
0x143: {  	[hbm4b:s26+s3] =	stream.linear.scatter [tilespmem:s25], [sflag:$0x4], $0x80, $0x38;
	[tilespmem:$0xE800] =	vst v63  }
.Ltmp6:
0x144: {  	_ = 	snop;
	(pc) =	sbr.rel @p0 .LBB2_2-.Ltmp6, $4  }
0x145: {  	s28 =	sadd.s32 $0xC930, s0;
	s29 =	sadd.s32 $0x60, s1  }
0x146: {  	[hbm4b:s29+s3] =	stream.linear.scatter [tilespmem:s28], [sflag:$0x4], $0x80, $0x38;
	[tilespmem:$0xE800] =	vst v63  }
0x147: {  	s30 =	sadd.s32 $0xC9B8, s0;
	s31 =	sadd.s32 $0x70, s1  }
0x148: {  	[hbm4b:s31+s3] =	stream.linear.scatter [tilespmem:s30], [sflag:$0x4], $0x80, $0x38;
	[tilespmem:$0xE800] =	vst v63  }
0x149: {  	s0 =	simm.s32 $0x3  }
0x14a: {  	_ =	swait.ge [sflag:s0], $0x2000  }
0x14b: {  	[sflag:s0] =	ssyncset.done $0x0  }
0x14c: {  	s1 =	simm.s32 $0x4;
	[sflag:s0] =	ssyncadd.s32 $0xFFFFE000  }
0x14d: {  	_ =	swait.ge [sflag:s1], $0x2000  }
0x14e: {  	s5 =	rddreg [dreg:$0x5]  }
0x14f: {  	s31 =	rddreg [dreg:$0x4];
	s5 =	sadd.s32 $0x1, s5  }
0x150: {  	p0 =	sne.s32 s5, s31  }
.Ltmp7:
0x151: {  	_ = 	snop;
	(pc) =	sbr.rel @p0 .LBB2_1-.Ltmp7, $3  }
0x152: {  	_ =	sdelay $0x1  }
0x153: {  	[sflag:s1] =	ssyncset.done $0x0  }
0x154: {  	[sflag:s1] =	ssyncadd.s32 $0xFFFFE000  }
0x155: {  	_ =	sfence.sel $0x180000  }
0x156: {  	[bflag:$0x0] =	sbarrier.arrive $0xFFFF  }
0x157: {  	_ =	strace $0x90000047  }
0x158: {  	s0 =	stileid.u32;
	[bflag:$0x2] =	sbarrier.arrive $0xFFFF  }
0x159: {  	p0 =	sne.s32 s0, $0x0;
	s0 =	rddreg [dreg:$0x2]  }
0x15a: {  	s0 =	sadd.s32 @!p0 $0x100000, s0  }
0x15b: {  	[sflag:s0] =	ssyncadd.tile.s32 @!p0 $0x1;
	_ =	shalt  }
.Lfunc_end2:
_tile_overlayer_lowered:
.L_overlay_start_2:
0x15c: {  	(tag) =	ssettag $0x2  }
0x15d: {  	s0 =	rddreg [dreg:$0x0];
	s2 =	stileid.u32  }
0x15e: {  	s1 =	rddreg [dreg:$0x1];
	p0 =	sne.s32 s2, $0x0  }
0x15f: {  	s3 =	rddreg [dreg:$0x2];
	[bflag:$0x3] =	sbarrier.arrive $0xFFFF;
	s2 =	simm.s32 @!p0 $0x1C05  }
0x160: {  	[timem:s3], [sflag:s2] =	dma.local @!p0 [hbm:s0], s1  }
0x161: {  	s0 =	simm.s32 @!p0 $0x5  }
0x162: {  	_ =	swait.ge @!p0 [sflag:s0], s1  }
0x163: {  	s1 =	ssub.s32 @!p0 $0x0, s1;
	[sflag:s0] =	ssyncset.done @!p0 $0x0  }
0x164: {  	[sflag:s0] =	ssyncadd.s32 @!p0 s1  }
0x165: {  	[bflag:$0x3] =	sbarrier.arrive $0xFFFF  }
0x166: {  	_ =	shalt  }

</sc_bundles>
